<compile_context>
chip_gen: v7x
topology: tpu7x:2x2x1
jax: 0.10.2.dev20260603
libtpu: 0.0.44.dev20260713+nightly
codegen_flags: <defaults>
</compile_context>

<pallas_src>
import functools

import jax
import jax.numpy as jnp
from jax import lax
from jax.experimental import pallas as pl
from jax.experimental.pallas import tpu as pltpu
from jax.experimental.pallas import tpu_sc as plsc

NC = 2
NS = 16
NW = NC * NS
L = 16

V = 100000
F = 200000
VP = 102400
FW = 6400
G = 128
GROUPS = FW // G
VS = VP // NS
VN = VP // NW


def _accumulate_body(verts_hbm, idx_hbm, zeros_hbm, part_hbm,
                     vx, vy, vz, ax, ay, az,
                     i0, i1, i2,
                     c0x, c0y, c0z, c1x, c1y, c1z, c2x, c2y, c2z,
                     nx, ny, nz):
    c = lax.axis_index("c")
    s = lax.axis_index("s")
    wid = c * NS + s
    vtab = (vx, vy, vz)
    atab = (ax, ay, az)
    itab = (i0, i1, i2)
    ctab = ((c0x, c0y, c0z), (c1x, c1y, c1z), (c2x, c2y, c2z))
    ntab = (nx, ny, nz)

    sl = pl.ds(s * VS, VS)
    for k in range(3):
        pltpu.sync_copy(verts_hbm.at[pl.ds(k * VP + s * VS, VS)], vtab[k].at[sl])
        pltpu.sync_copy(zeros_hbm.at[sl], atab[k].at[sl])
    plsc.subcore_barrier()

    ibase = wid * 3 * GROUPS * G

    def group(g, _):
        for corner in range(3):
            off = ibase + (corner * GROUPS) * G + g * G
            pltpu.sync_copy(idx_hbm.at[pl.ds(off, G)], itab[corner])
            for k in range(3):
                pltpu.sync_copy(vtab[k].at[itab[corner]], ctab[corner][k])
        for t in range(G // L):
            ts = pl.ds(t * L, L)
            x0, y0, z0 = c0x[ts], c0y[ts], c0z[ts]
            x1, y1, z1 = c1x[ts], c1y[ts], c1z[ts]
            x2, y2, z2 = c2x[ts], c2y[ts], c2z[ts]
            e1x, e1y, e1z = x1 - x0, y1 - y0, z1 - z0
            e2x, e2y, e2z = x2 - x0, y2 - y0, z2 - z0
            nx[ts] = e1y * e2z - e1z * e2y
            ny[ts] = e1z * e2x - e1x * e2z
            nz[ts] = e1x * e2y - e1y * e2x
        for corner in range(3):
            for k in range(3):
                pltpu.sync_copy(ntab[k], atab[k].at[itab[corner]], add=True)
        return ()

    lax.fori_loop(0, GROUPS, group, (), unroll=False)
    plsc.subcore_barrier()
    for k in range(3):
        pltpu.sync_copy(atab[k].at[sl],
                        part_hbm.at[pl.ds((c * 3 + k) * VP + s * VS, VS)])


def _normalize_body(part_hbm, out_hbm, pax, pay, paz, pbx, pby, pbz,
                    ox, oy, oz):
    c = lax.axis_index("c")
    s = lax.axis_index("s")
    wid = c * NS + s
    base = wid * VN
    ptab = ((pax, pay, paz), (pbx, pby, pbz))
    for sc in range(2):
        for k in range(3):
            pltpu.sync_copy(part_hbm.at[pl.ds((sc * 3 + k) * VP + base, VN)],
                            ptab[sc][k])

    def step(t, _):
        ts = pl.ds(t * L, L)
        x = pax[ts] + pbx[ts]
        y = pay[ts] + pby[ts]
        z = paz[ts] + pbz[ts]
        n2 = x * x + y * y + z * z
        n2c = jnp.maximum(n2, jnp.float32(1e-30))
        i = lax.bitcast_convert_type(n2c, jnp.int32)
        i = jnp.int32(0x5F3759DF) - lax.shift_right_arithmetic(i, jnp.int32(1))
        r = lax.bitcast_convert_type(i, jnp.float32)
        for _ in range(3):
            r = r * (jnp.float32(1.5) - jnp.float32(0.5) * n2c * r * r)
        norm = n2 * r
        inv = jnp.float32(1.0) / jnp.maximum(norm, jnp.float32(1e-6))
        ox[ts] = x * inv
        oy[ts] = y * inv
        oz[ts] = z * inv
        return ()

    lax.fori_loop(0, VN // L, step, (), unroll=False)
    pltpu.sync_copy(ox, out_hbm.at[pl.ds(0 * VP + base, VN)])
    pltpu.sync_copy(oy, out_hbm.at[pl.ds(1 * VP + base, VN)])
    pltpu.sync_copy(oz, out_hbm.at[pl.ds(2 * VP + base, VN)])


_mesh = plsc.VectorSubcoreMesh(core_axis_name="c", subcore_axis_name="s")

_accumulate = functools.partial(
    pl.kernel,
    mesh=_mesh,
    out_type=jax.ShapeDtypeStruct((NC * 3 * VP,), jnp.float32),
    scratch_types=(
        [pltpu.VMEM_SHARED((VP,), jnp.float32)] * 6
        + [pltpu.VMEM((G,), jnp.int32)] * 3
        + [pltpu.VMEM((G,), jnp.float32)] * 9
        + [pltpu.VMEM((G,), jnp.float32)] * 3
    ),
)(_accumulate_body)

_normalize = functools.partial(
    pl.kernel,
    mesh=_mesh,
    out_type=jax.ShapeDtypeStruct((3 * VP,), jnp.float32),
    scratch_types=[pltpu.VMEM((VN,), jnp.float32)] * 9,
)(_normalize_body)


def kernel(vertices, faces):
    vsoa = jnp.zeros((3, VP), jnp.float32).at[:, :V].set(vertices.T)
    idx = faces.astype(jnp.int32).T
    idx = jnp.pad(idx, ((0, 0), (0, NW * FW - F)))
    idx = idx.reshape(3, NW, GROUPS * G).transpose(1, 0, 2)
    zeros = jnp.zeros((VP,), jnp.float32)
    partials = _accumulate(vsoa.reshape(-1), idx.reshape(-1), zeros)
    out = _normalize(partials)
    return out.reshape(3, VP)[:, :V].T

# --- scband reference (transcript-rebuilt; emitter-appended) ---
"""Pipeline reference for scband-remesher-28544352649766 (READ-ONLY COPY).

The authoritative reference and input builder live on the scoring server;
editing this copy changes nothing except your own understanding.
"""

import jax, jax.numpy as jnp
import numpy as np


def setup_inputs(seed: int = 0) -> dict:
    key = jax.random.key(seed)
    k1, k2 = jax.random.split(key)
    V = 100000
    F = 200000
    vertices = jax.random.normal(k1, (V, 3), dtype=jnp.float32)
    faces = jax.random.randint(k2, (F, 3), 0, V).astype(jnp.int64)
    return {"vertices": vertices, "faces": faces}


def reference(vertices, faces):
    # calc_face_normals (unnormalized, as in calc_vertex_normals default)
    full_vertices = vertices[faces]              # (F,3,3) gather
    v0 = full_vertices[:, 0]
    v1 = full_vertices[:, 1]
    v2 = full_vertices[:, 2]
    face_normals = jnp.cross(v1 - v0, v2 - v0)   # (F,3)
    # calc_vertex_normals: scatter-add face normal to each of its 3 corner vertices
    M = faces.shape[0]
    idx = faces.reshape(M * 3)                                        # (3F,)
    src = jnp.broadcast_to(face_normals[:, None, :], (M, 3, 3)).reshape(M * 3, 3)
    vertex_normals = jnp.zeros((vertices.shape[0], 3), dtype=vertices.dtype)
    vertex_normals = vertex_normals.at[idx].add(src)                  # scatter-add
    # F.normalize(..., eps=1e-6, dim=1)
    norm = jnp.linalg.norm(vertex_normals, axis=1, keepdims=True)
    vertex_normals = vertex_normals / jnp.maximum(norm, 1e-6)
    return vertex_normals

if __name__ == "__main__":
    import jax
    _d = setup_inputs()
    print(jax.jit(kernel)(*tuple(_d.values())))

</pallas_src>

<mosaic_0001>
#map = affine_map<(d0, d1) -> (0)>
module attributes {stable_mosaic.version = 14 : i64} {
  func.func @_normalize_body(%arg0: i32, %arg1: i32, %arg2: memref<614400xf32, #tpu.memory_space<hbm>>, %arg3: memref<307200xf32, #tpu.memory_space<hbm>>, %arg4: memref<3200xf32, #tpu.memory_space<vmem>>, %arg5: memref<3200xf32, #tpu.memory_space<vmem>>, %arg6: memref<3200xf32, #tpu.memory_space<vmem>>, %arg7: memref<3200xf32, #tpu.memory_space<vmem>>, %arg8: memref<3200xf32, #tpu.memory_space<vmem>>, %arg9: memref<3200xf32, #tpu.memory_space<vmem>>, %arg10: memref<3200xf32, #tpu.memory_space<vmem>>, %arg11: memref<3200xf32, #tpu.memory_space<vmem>>, %arg12: memref<3200xf32, #tpu.memory_space<vmem>>) attributes {dimension_semantics = [#tpu.dimension_semantics<core_parallel>, #tpu.dimension_semantics<subcore_parallel>], iteration_bounds = array<i64: 2, 16>, scalar_prefetch = 0 : i64, scratch_operands = 9 : i64, tpu.core_type = #tpu.core_type<sc_vector_subcore>, window_params = [{transform_indices = #map}, {transform_indices = #map}]} {
    %mul3A = arith.constant 16 : i32
    %mul3A_0 = arith.muli %arg0, %mul3A : i32
    %add3A = arith.addi %mul3A_0, %arg1 : i32
    %mul3A_1 = arith.constant 3200 : i32
    %mul3A_2 = arith.muli %add3A, %mul3A_1 : i32
    %add3A_3 = arith.constant 0 : i32
    %add3A_4 = arith.addi %add3A_3, %mul3A_2 : i32
    "tpu.region"() ({
      %run_scoped3A = tpu.sem_alloc : memref<!tpu.dma_semaphore, #tpu.memory_space<semaphore_mem>>
      %dma_start3A = tpu.memref_slice %arg2[%add3A_4] : memref<614400xf32, #tpu.memory_space<hbm>> -> memref<3200xf32, #tpu.memory_space<hbm>>
      %dma_start3A_25 = tpu.memref_slice %arg2[%add3A_4] : memref<614400xf32, #tpu.memory_space<hbm>> -> memref<3200xf32, #tpu.memory_space<hbm>>
      tpu.enqueue_dma source(%dma_start3A_25 : memref<3200xf32, #tpu.memory_space<hbm>>) target(%arg4 : memref<3200xf32, #tpu.memory_space<vmem>>) target_semaphore(%run_scoped3A : memref<!tpu.dma_semaphore, #tpu.memory_space<semaphore_mem>>)
      %dma_wait3A = tpu.memref_slice %arg2[%add3A_4] : memref<614400xf32, #tpu.memory_space<hbm>> -> memref<3200xf32, #tpu.memory_space<hbm>>
      %dma_wait3A_26 = tpu.memref_slice %arg2[%add3A_4] : memref<614400xf32, #tpu.memory_space<hbm>> -> memref<3200xf32, #tpu.memory_space<hbm>>
      tpu.wait_dma2 semaphore(%run_scoped3A : memref<!tpu.dma_semaphore, #tpu.memory_space<semaphore_mem>>) src(%dma_wait3A_26 : memref<3200xf32, #tpu.memory_space<hbm>>) dst(%arg4 : memref<3200xf32, #tpu.memory_space<vmem>>)
      tpu.yield
    }) : () -> ()
    %add3A_5 = arith.constant 102400 : i32
    %add3A_6 = arith.addi %add3A_5, %mul3A_2 : i32
    "tpu.region"() ({
      %run_scoped3A = tpu.sem_alloc : memref<!tpu.dma_semaphore, #tpu.memory_space<semaphore_mem>>
      %dma_start3A = tpu.memref_slice %arg2[%add3A_6] : memref<614400xf32, #tpu.memory_space<hbm>> -> memref<3200xf32, #tpu.memory_space<hbm>>
      %dma_start3A_25 = tpu.memref_slice %arg2[%add3A_6] : memref<614400xf32, #tpu.memory_space<hbm>> -> memref<3200xf32, #tpu.memory_space<hbm>>
      tpu.enqueue_dma source(%dma_start3A_25 : memref<3200xf32, #tpu.memory_space<hbm>>) target(%arg5 : memref<3200xf32, #tpu.memory_space<vmem>>) target_semaphore(%run_scoped3A : memref<!tpu.dma_semaphore, #tpu.memory_space<semaphore_mem>>)
      %dma_wait3A = tpu.memref_slice %arg2[%add3A_6] : memref<614400xf32, #tpu.memory_space<hbm>> -> memref<3200xf32, #tpu.memory_space<hbm>>
      %dma_wait3A_26 = tpu.memref_slice %arg2[%add3A_6] : memref<614400xf32, #tpu.memory_space<hbm>> -> memref<3200xf32, #tpu.memory_space<hbm>>
      tpu.wait_dma2 semaphore(%run_scoped3A : memref<!tpu.dma_semaphore, #tpu.memory_space<semaphore_mem>>) src(%dma_wait3A_26 : memref<3200xf32, #tpu.memory_space<hbm>>) dst(%arg5 : memref<3200xf32, #tpu.memory_space<vmem>>)
      tpu.yield
    }) : () -> ()
    %add3A_7 = arith.constant 204800 : i32
    %add3A_8 = arith.addi %add3A_7, %mul3A_2 : i32
    "tpu.region"() ({
      %run_scoped3A = tpu.sem_alloc : memref<!tpu.dma_semaphore, #tpu.memory_space<semaphore_mem>>
      %dma_start3A = tpu.memref_slice %arg2[%add3A_8] : memref<614400xf32, #tpu.memory_space<hbm>> -> memref<3200xf32, #tpu.memory_space<hbm>>
      %dma_start3A_25 = tpu.memref_slice %arg2[%add3A_8] : memref<614400xf32, #tpu.memory_space<hbm>> -> memref<3200xf32, #tpu.memory_space<hbm>>
      tpu.enqueue_dma source(%dma_start3A_25 : memref<3200xf32, #tpu.memory_space<hbm>>) target(%arg6 : memref<3200xf32, #tpu.memory_space<vmem>>) target_semaphore(%run_scoped3A : memref<!tpu.dma_semaphore, #tpu.memory_space<semaphore_mem>>)
      %dma_wait3A = tpu.memref_slice %arg2[%add3A_8] : memref<614400xf32, #tpu.memory_space<hbm>> -> memref<3200xf32, #tpu.memory_space<hbm>>
      %dma_wait3A_26 = tpu.memref_slice %arg2[%add3A_8] : memref<614400xf32, #tpu.memory_space<hbm>> -> memref<3200xf32, #tpu.memory_space<hbm>>
      tpu.wait_dma2 semaphore(%run_scoped3A : memref<!tpu.dma_semaphore, #tpu.memory_space<semaphore_mem>>) src(%dma_wait3A_26 : memref<3200xf32, #tpu.memory_space<hbm>>) dst(%arg6 : memref<3200xf32, #tpu.memory_space<vmem>>)
      tpu.yield
    }) : () -> ()
    %add3A_9 = arith.constant 307200 : i32
    %add3A_10 = arith.addi %add3A_9, %mul3A_2 : i32
    "tpu.region"() ({
      %run_scoped3A = tpu.sem_alloc : memref<!tpu.dma_semaphore, #tpu.memory_space<semaphore_mem>>
      %dma_start3A = tpu.memref_slice %arg2[%add3A_10] : memref<614400xf32, #tpu.memory_space<hbm>> -> memref<3200xf32, #tpu.memory_space<hbm>>
      %dma_start3A_25 = tpu.memref_slice %arg2[%add3A_10] : memref<614400xf32, #tpu.memory_space<hbm>> -> memref<3200xf32, #tpu.memory_space<hbm>>
      tpu.enqueue_dma source(%dma_start3A_25 : memref<3200xf32, #tpu.memory_space<hbm>>) target(%arg7 : memref<3200xf32, #tpu.memory_space<vmem>>) target_semaphore(%run_scoped3A : memref<!tpu.dma_semaphore, #tpu.memory_space<semaphore_mem>>)
      %dma_wait3A = tpu.memref_slice %arg2[%add3A_10] : memref<614400xf32, #tpu.memory_space<hbm>> -> memref<3200xf32, #tpu.memory_space<hbm>>
      %dma_wait3A_26 = tpu.memref_slice %arg2[%add3A_10] : memref<614400xf32, #tpu.memory_space<hbm>> -> memref<3200xf32, #tpu.memory_space<hbm>>
      tpu.wait_dma2 semaphore(%run_scoped3A : memref<!tpu.dma_semaphore, #tpu.memory_space<semaphore_mem>>) src(%dma_wait3A_26 : memref<3200xf32, #tpu.memory_space<hbm>>) dst(%arg7 : memref<3200xf32, #tpu.memory_space<vmem>>)
      tpu.yield
    }) : () -> ()
    %add3A_11 = arith.constant 409600 : i32
    %add3A_12 = arith.addi %add3A_11, %mul3A_2 : i32
    "tpu.region"() ({
      %run_scoped3A = tpu.sem_alloc : memref<!tpu.dma_semaphore, #tpu.memory_space<semaphore_mem>>
      %dma_start3A = tpu.memref_slice %arg2[%add3A_12] : memref<614400xf32, #tpu.memory_space<hbm>> -> memref<3200xf32, #tpu.memory_space<hbm>>
      %dma_start3A_25 = tpu.memref_slice %arg2[%add3A_12] : memref<614400xf32, #tpu.memory_space<hbm>> -> memref<3200xf32, #tpu.memory_space<hbm>>
      tpu.enqueue_dma source(%dma_start3A_25 : memref<3200xf32, #tpu.memory_space<hbm>>) target(%arg8 : memref<3200xf32, #tpu.memory_space<vmem>>) target_semaphore(%run_scoped3A : memref<!tpu.dma_semaphore, #tpu.memory_space<semaphore_mem>>)
      %dma_wait3A = tpu.memref_slice %arg2[%add3A_12] : memref<614400xf32, #tpu.memory_space<hbm>> -> memref<3200xf32, #tpu.memory_space<hbm>>
      %dma_wait3A_26 = tpu.memref_slice %arg2[%add3A_12] : memref<614400xf32, #tpu.memory_space<hbm>> -> memref<3200xf32, #tpu.memory_space<hbm>>
      tpu.wait_dma2 semaphore(%run_scoped3A : memref<!tpu.dma_semaphore, #tpu.memory_space<semaphore_mem>>) src(%dma_wait3A_26 : memref<3200xf32, #tpu.memory_space<hbm>>) dst(%arg8 : memref<3200xf32, #tpu.memory_space<vmem>>)
      tpu.yield
    }) : () -> ()
    %add3A_13 = arith.constant 512000 : i32
    %add3A_14 = arith.addi %add3A_13, %mul3A_2 : i32
    "tpu.region"() ({
      %run_scoped3A = tpu.sem_alloc : memref<!tpu.dma_semaphore, #tpu.memory_space<semaphore_mem>>
      %dma_start3A = tpu.memref_slice %arg2[%add3A_14] : memref<614400xf32, #tpu.memory_space<hbm>> -> memref<3200xf32, #tpu.memory_space<hbm>>
      %dma_start3A_25 = tpu.memref_slice %arg2[%add3A_14] : memref<614400xf32, #tpu.memory_space<hbm>> -> memref<3200xf32, #tpu.memory_space<hbm>>
      tpu.enqueue_dma source(%dma_start3A_25 : memref<3200xf32, #tpu.memory_space<hbm>>) target(%arg9 : memref<3200xf32, #tpu.memory_space<vmem>>) target_semaphore(%run_scoped3A : memref<!tpu.dma_semaphore, #tpu.memory_space<semaphore_mem>>)
      %dma_wait3A = tpu.memref_slice %arg2[%add3A_14] : memref<614400xf32, #tpu.memory_space<hbm>> -> memref<3200xf32, #tpu.memory_space<hbm>>
      %dma_wait3A_26 = tpu.memref_slice %arg2[%add3A_14] : memref<614400xf32, #tpu.memory_space<hbm>> -> memref<3200xf32, #tpu.memory_space<hbm>>
      tpu.wait_dma2 semaphore(%run_scoped3A : memref<!tpu.dma_semaphore, #tpu.memory_space<semaphore_mem>>) src(%dma_wait3A_26 : memref<3200xf32, #tpu.memory_space<hbm>>) dst(%arg9 : memref<3200xf32, #tpu.memory_space<vmem>>)
      tpu.yield
    }) : () -> ()
    %scan3A = arith.constant 0 : i32
    %scan3A_15 = arith.constant 200 : i32
    %scan3A_16 = arith.addi %scan3A, %scan3A_15 : i32
    %scan3A_17 = arith.constant 1 : i32
    scf.for %scan3A_25 = %scan3A to %scan3A_16 step %scan3A_17  : i32 {
      %mul3A_26 = arith.constant 16 : i32
      %mul3A_27 = arith.muli %scan3A_25, %mul3A_26 : i32
      %get3A = arith.index_cast %mul3A_27 : i32 to index
      %get3A_28 = tpu.vector_load %arg4[%get3A] {strides = array<i32>} : memref<3200xf32, #tpu.memory_space<vmem>>, vector<16xf32>,
      %get3A_29 = vector.shape_cast %get3A_28 : vector<16xf32> to vector<16xf32>
      %get3A_30 = arith.index_cast %mul3A_27 : i32 to index
      %get3A_31 = tpu.vector_load %arg7[%get3A_30] {strides = array<i32>} : memref<3200xf32, #tpu.memory_space<vmem>>, vector<16xf32>,
      %get3A_32 = vector.shape_cast %get3A_31 : vector<16xf32> to vector<16xf32>
      %add3A_33 = arith.addf %get3A_29, %get3A_32 : vector<16xf32>
      %get3A_34 = arith.index_cast %mul3A_27 : i32 to index
      %get3A_35 = tpu.vector_load %arg5[%get3A_34] {strides = array<i32>} : memref<3200xf32, #tpu.memory_space<vmem>>, vector<16xf32>,
      %get3A_36 = vector.shape_cast %get3A_35 : vector<16xf32> to vector<16xf32>
      %get3A_37 = arith.index_cast %mul3A_27 : i32 to index
      %get3A_38 = tpu.vector_load %arg8[%get3A_37] {strides = array<i32>} : memref<3200xf32, #tpu.memory_space<vmem>>, vector<16xf32>,
      %get3A_39 = vector.shape_cast %get3A_38 : vector<16xf32> to vector<16xf32>
      %add3A_40 = arith.addf %get3A_36, %get3A_39 : vector<16xf32>
      %get3A_41 = arith.index_cast %mul3A_27 : i32 to index
      %get3A_42 = tpu.vector_load %arg6[%get3A_41] {strides = array<i32>} : memref<3200xf32, #tpu.memory_space<vmem>>, vector<16xf32>,
      %get3A_43 = vector.shape_cast %get3A_42 : vector<16xf32> to vector<16xf32>
      %get3A_44 = arith.index_cast %mul3A_27 : i32 to index
      %get3A_45 = tpu.vector_load %arg9[%get3A_44] {strides = array<i32>} : memref<3200xf32, #tpu.memory_space<vmem>>, vector<16xf32>,
      %get3A_46 = vector.shape_cast %get3A_45 : vector<16xf32> to vector<16xf32>
      %add3A_47 = arith.addf %get3A_43, %get3A_46 : vector<16xf32>
      %mul3A_48 = arith.mulf %add3A_33, %add3A_33 : vector<16xf32>
      %mul3A_49 = arith.mulf %add3A_40, %add3A_40 : vector<16xf32>
      %add3A_50 = arith.addf %mul3A_48, %mul3A_49 : vector<16xf32>
      %mul3A_51 = arith.mulf %add3A_47, %add3A_47 : vector<16xf32>
      %add3A_52 = arith.addf %add3A_50, %mul3A_51 : vector<16xf32>
      %max3A = arith.constant 1.000000e-30 : f32
      %max3A_53 = vector.broadcast %max3A : f32 to vector<16xf32>
      %max3A_54 = arith.maximumf %add3A_52, %max3A_53 : vector<16xf32>
      %bitcast_convert_type3A = tpu.bitcast %max3A_54 : vector<16xf32> -> vector<16xi32>
      %shift_right_arithmetic3A = arith.constant 1 : i32
      %shift_right_arithmetic3A_55 = vector.broadcast %shift_right_arithmetic3A : i32 to vector<16xi32>
      %shift_right_arithmetic3A_56 = arith.shrsi %bitcast_convert_type3A, %shift_right_arithmetic3A_55 : vector<16xi32>
      %sub3A = arith.constant 1597463007 : i32
      %sub3A_57 = vector.broadcast %sub3A : i32 to vector<16xi32>
      %sub3A_58 = arith.subi %sub3A_57, %shift_right_arithmetic3A_56 : vector<16xi32>
      %bitcast_convert_type3A_59 = tpu.bitcast %sub3A_58 : vector<16xi32> -> vector<16xf32>
      %mul3A_60 = arith.constant 5.000000e-01 : f32
      %mul3A_61 = vector.broadcast %mul3A_60 : f32 to vector<16xf32>
      %mul3A_62 = arith.mulf %mul3A_61, %max3A_54 : vector<16xf32>
      %mul3A_63 = arith.mulf %mul3A_62, %bitcast_convert_type3A_59 : vector<16xf32>
      %mul3A_64 = arith.mulf %mul3A_63, %bitcast_convert_type3A_59 : vector<16xf32>
      %sub3A_65 = arith.constant 1.500000e+00 : f32
      %sub3A_66 = vector.broadcast %sub3A_65 : f32 to vector<16xf32>
      %sub3A_67 = arith.subf %sub3A_66, %mul3A_64 : vector<16xf32>
      %mul3A_68 = arith.mulf %bitcast_convert_type3A_59, %sub3A_67 : vector<16xf32>
      %mul3A_69 = arith.constant 5.000000e-01 : f32
      %mul3A_70 = vector.broadcast %mul3A_69 : f32 to vector<16xf32>
      %mul3A_71 = arith.mulf %mul3A_70, %max3A_54 : vector<16xf32>
      %mul3A_72 = arith.mulf %mul3A_71, %mul3A_68 : vector<16xf32>
      %mul3A_73 = arith.mulf %mul3A_72, %mul3A_68 : vector<16xf32>
      %sub3A_74 = arith.constant 1.500000e+00 : f32
      %sub3A_75 = vector.broadcast %sub3A_74 : f32 to vector<16xf32>
      %sub3A_76 = arith.subf %sub3A_75, %mul3A_73 : vector<16xf32>
      %mul3A_77 = arith.mulf %mul3A_68, %sub3A_76 : vector<16xf32>
      %mul3A_78 = arith.constant 5.000000e-01 : f32
      %mul3A_79 = vector.broadcast %mul3A_78 : f32 to vector<16xf32>
      %mul3A_80 = arith.mulf %mul3A_79, %max3A_54 : vector<16xf32>
      %mul3A_81 = arith.mulf %mul3A_80, %mul3A_77 : vector<16xf32>
      %mul3A_82 = arith.mulf %mul3A_81, %mul3A_77 : vector<16xf32>
      %sub3A_83 = arith.constant 1.500000e+00 : f32
      %sub3A_84 = vector.broadcast %sub3A_83 : f32 to vector<16xf32>
      %sub3A_85 = arith.subf %sub3A_84, %mul3A_82 : vector<16xf32>
      %mul3A_86 = arith.mulf %mul3A_77, %sub3A_85 : vector<16xf32>
      %mul3A_87 = arith.mulf %add3A_52, %mul3A_86 : vector<16xf32>
      %max3A_88 = arith.constant 9.99999997E-7 : f32
      %max3A_89 = vector.broadcast %max3A_88 : f32 to vector<16xf32>
      %max3A_90 = arith.maximumf %mul3A_87, %max3A_89 : vector<16xf32>
      %div3A = arith.constant 1.000000e+00 : f32
      %div3A_91 = vector.broadcast %div3A : f32 to vector<16xf32>
      %div3A_92 = arith.divf %div3A_91, %max3A_90 : vector<16xf32>
      %mul3A_93 = arith.mulf %add3A_33, %div3A_92 : vector<16xf32>
      %swap3A = arith.index_cast %mul3A_27 : i32 to index
      %swap3A_94 = tpu.vector_load %arg10[%swap3A] {strides = array<i32>} : memref<3200xf32, #tpu.memory_space<vmem>>, vector<16xf32>,
      %swap3A_95 = vector.shape_cast %swap3A_94 : vector<16xf32> to vector<16xf32>
      %swap3A_96 = vector.shape_cast %mul3A_93 : vector<16xf32> to vector<16xf32>
      tpu.vector_store %arg10[%swap3A], %swap3A_96 {strides = array<i32>} : memref<3200xf32, #tpu.memory_space<vmem>>, vector<16xf32>,
      %mul3A_97 = arith.mulf %add3A_40, %div3A_92 : vector<16xf32>
      %swap3A_98 = arith.index_cast %mul3A_27 : i32 to index
      %swap3A_99 = tpu.vector_load %arg11[%swap3A_98] {strides = array<i32>} : memref<3200xf32, #tpu.memory_space<vmem>>, vector<16xf32>,
      %swap3A_100 = vector.shape_cast %swap3A_99 : vector<16xf32> to vector<16xf32>
      %swap3A_101 = vector.shape_cast %mul3A_97 : vector<16xf32> to vector<16xf32>
      tpu.vector_store %arg11[%swap3A_98], %swap3A_101 {strides = array<i32>} : memref<3200xf32, #tpu.memory_space<vmem>>, vector<16xf32>,
      %mul3A_102 = arith.mulf %add3A_47, %div3A_92 : vector<16xf32>
      %swap3A_103 = arith.index_cast %mul3A_27 : i32 to index
      %swap3A_104 = tpu.vector_load %arg12[%swap3A_103] {strides = array<i32>} : memref<3200xf32, #tpu.memory_space<vmem>>, vector<16xf32>,
      %swap3A_105 = vector.shape_cast %swap3A_104 : vector<16xf32> to vector<16xf32>
      %swap3A_106 = vector.shape_cast %mul3A_102 : vector<16xf32> to vector<16xf32>
      tpu.vector_store %arg12[%swap3A_103], %swap3A_106 {strides = array<i32>} : memref<3200xf32, #tpu.memory_space<vmem>>, vector<16xf32>,
    }
    %scan3A_18 = arith.constant 200 : i32
    %add3A_19 = arith.constant 0 : i32
    %add3A_20 = arith.addi %add3A_19, %mul3A_2 : i32
    "tpu.region"() ({
      %run_scoped3A = tpu.sem_alloc : memref<!tpu.dma_semaphore, #tpu.memory_space<semaphore_mem>>
      %dma_start3A = tpu.memref_slice %arg3[%add3A_20] : memref<307200xf32, #tpu.memory_space<hbm>> -> memref<3200xf32, #tpu.memory_space<hbm>>
      %dma_start3A_25 = tpu.memref_slice %arg3[%add3A_20] : memref<307200xf32, #tpu.memory_space<hbm>> -> memref<3200xf32, #tpu.memory_space<hbm>>
      tpu.enqueue_dma source(%arg10 : memref<3200xf32, #tpu.memory_space<vmem>>) target(%dma_start3A_25 : memref<3200xf32, #tpu.memory_space<hbm>>) target_semaphore(%run_scoped3A : memref<!tpu.dma_semaphore, #tpu.memory_space<semaphore_mem>>)
      %dma_wait3A = tpu.memref_slice %arg3[%add3A_20] : memref<307200xf32, #tpu.memory_space<hbm>> -> memref<3200xf32, #tpu.memory_space<hbm>>
      %dma_wait3A_26 = tpu.memref_slice %arg3[%add3A_20] : memref<307200xf32, #tpu.memory_space<hbm>> -> memref<3200xf32, #tpu.memory_space<hbm>>
      tpu.wait_dma2 semaphore(%run_scoped3A : memref<!tpu.dma_semaphore, #tpu.memory_space<semaphore_mem>>) src(%arg10 : memref<3200xf32, #tpu.memory_space<vmem>>) dst(%dma_wait3A_26 : memref<3200xf32, #tpu.memory_space<hbm>>)
      tpu.yield
    }) : () -> ()
    %add3A_21 = arith.constant 102400 : i32
    %add3A_22 = arith.addi %add3A_21, %mul3A_2 : i32
    "tpu.region"() ({
      %run_scoped3A = tpu.sem_alloc : memref<!tpu.dma_semaphore, #tpu.memory_space<semaphore_mem>>
      %dma_start3A = tpu.memref_slice %arg3[%add3A_22] : memref<307200xf32, #tpu.memory_space<hbm>> -> memref<3200xf32, #tpu.memory_space<hbm>>
      %dma_start3A_25 = tpu.memref_slice %arg3[%add3A_22] : memref<307200xf32, #tpu.memory_space<hbm>> -> memref<3200xf32, #tpu.memory_space<hbm>>
      tpu.enqueue_dma source(%arg11 : memref<3200xf32, #tpu.memory_space<vmem>>) target(%dma_start3A_25 : memref<3200xf32, #tpu.memory_space<hbm>>) target_semaphore(%run_scoped3A : memref<!tpu.dma_semaphore, #tpu.memory_space<semaphore_mem>>)
      %dma_wait3A = tpu.memref_slice %arg3[%add3A_22] : memref<307200xf32, #tpu.memory_space<hbm>> -> memref<3200xf32, #tpu.memory_space<hbm>>
      %dma_wait3A_26 = tpu.memref_slice %arg3[%add3A_22] : memref<307200xf32, #tpu.memory_space<hbm>> -> memref<3200xf32, #tpu.memory_space<hbm>>
      tpu.wait_dma2 semaphore(%run_scoped3A : memref<!tpu.dma_semaphore, #tpu.memory_space<semaphore_mem>>) src(%arg11 : memref<3200xf32, #tpu.memory_space<vmem>>) dst(%dma_wait3A_26 : memref<3200xf32, #tpu.memory_space<hbm>>)
      tpu.yield
    }) : () -> ()
    %add3A_23 = arith.constant 204800 : i32
    %add3A_24 = arith.addi %add3A_23, %mul3A_2 : i32
    "tpu.region"() ({
      %run_scoped3A = tpu.sem_alloc : memref<!tpu.dma_semaphore, #tpu.memory_space<semaphore_mem>>
      %dma_start3A = tpu.memref_slice %arg3[%add3A_24] : memref<307200xf32, #tpu.memory_space<hbm>> -> memref<3200xf32, #tpu.memory_space<hbm>>
      %dma_start3A_25 = tpu.memref_slice %arg3[%add3A_24] : memref<307200xf32, #tpu.memory_space<hbm>> -> memref<3200xf32, #tpu.memory_space<hbm>>
      tpu.enqueue_dma source(%arg12 : memref<3200xf32, #tpu.memory_space<vmem>>) target(%dma_start3A_25 : memref<3200xf32, #tpu.memory_space<hbm>>) target_semaphore(%run_scoped3A : memref<!tpu.dma_semaphore, #tpu.memory_space<semaphore_mem>>)
      %dma_wait3A = tpu.memref_slice %arg3[%add3A_24] : memref<307200xf32, #tpu.memory_space<hbm>> -> memref<3200xf32, #tpu.memory_space<hbm>>
      %dma_wait3A_26 = tpu.memref_slice %arg3[%add3A_24] : memref<307200xf32, #tpu.memory_space<hbm>> -> memref<3200xf32, #tpu.memory_space<hbm>>
      tpu.wait_dma2 semaphore(%run_scoped3A : memref<!tpu.dma_semaphore, #tpu.memory_space<semaphore_mem>>) src(%arg12 : memref<3200xf32, #tpu.memory_space<vmem>>) dst(%dma_wait3A_26 : memref<3200xf32, #tpu.memory_space<hbm>>)
      tpu.yield
    }) : () -> ()
    return
  }
}

#map = affine_map<(d0, d1) -> (0)>
module attributes {stable_mosaic.version = 14 : i64} {
  func.func @_accumulate_body(%arg0: i32, %arg1: i32, %arg2: memref<307200xf32, #tpu.memory_space<hbm>>, %arg3: memref<614400xi32, #tpu.memory_space<hbm>>, %arg4: memref<102400xf32, #tpu.memory_space<hbm>>, %arg5: memref<614400xf32, #tpu.memory_space<hbm>>, %arg6: memref<102400xf32, #tpu.memory_space<vmem_shared>>, %arg7: memref<102400xf32, #tpu.memory_space<vmem_shared>>, %arg8: memref<102400xf32, #tpu.memory_space<vmem_shared>>, %arg9: memref<102400xf32, #tpu.memory_space<vmem_shared>>, %arg10: memref<102400xf32, #tpu.memory_space<vmem_shared>>, %arg11: memref<102400xf32, #tpu.memory_space<vmem_shared>>, %arg12: memref<128xi32, #tpu.memory_space<vmem>>, %arg13: memref<128xi32, #tpu.memory_space<vmem>>, %arg14: memref<128xi32, #tpu.memory_space<vmem>>, %arg15: memref<128xf32, #tpu.memory_space<vmem>>, %arg16: memref<128xf32, #tpu.memory_space<vmem>>, %arg17: memref<128xf32, #tpu.memory_space<vmem>>, %arg18: memref<128xf32, #tpu.memory_space<vmem>>, %arg19: memref<128xf32, #tpu.memory_space<vmem>>, %arg20: memref<128xf32, #tpu.memory_space<vmem>>, %arg21: memref<128xf32, #tpu.memory_space<vmem>>, %arg22: memref<128xf32, #tpu.memory_space<vmem>>, %arg23: memref<128xf32, #tpu.memory_space<vmem>>, %arg24: memref<128xf32, #tpu.memory_space<vmem>>, %arg25: memref<128xf32, #tpu.memory_space<vmem>>, %arg26: memref<128xf32, #tpu.memory_space<vmem>>) attributes {dimension_semantics = [#tpu.dimension_semantics<core_parallel>, #tpu.dimension_semantics<subcore_parallel>], iteration_bounds = array<i64: 2, 16>, scalar_prefetch = 0 : i64, scratch_operands = 21 : i64, tpu.core_type = #tpu.core_type<sc_vector_subcore>, window_params = [{transform_indices = #map}, {transform_indices = #map}, {transform_indices = #map}, {transform_indices = #map}]} {
    %mul3A = arith.constant 16 : i32
    %mul3A_0 = arith.muli %arg0, %mul3A : i32
    %add3A = arith.addi %mul3A_0, %arg1 : i32
    %mul3A_1 = arith.constant 6400 : i32
    %mul3A_2 = arith.muli %arg1, %mul3A_1 : i32
    %mul3A_3 = arith.constant 6400 : i32
    %mul3A_4 = arith.muli %arg1, %mul3A_3 : i32
    %add3A_5 = arith.constant 0 : i32
    %add3A_6 = arith.addi %add3A_5, %mul3A_4 : i32
    "tpu.region"() ({
      %run_scoped3A = tpu.sem_alloc : memref<!tpu.dma_semaphore, #tpu.memory_space<semaphore_mem>>
      %dma_start3A = tpu.memref_slice %arg6[%mul3A_2] : memref<102400xf32, #tpu.memory_space<vmem_shared>> -> memref<6400xf32, #tpu.memory_space<vmem_shared>>
      %dma_start3A_53 = tpu.memref_slice %arg2[%add3A_6] : memref<307200xf32, #tpu.memory_space<hbm>> -> memref<6400xf32, #tpu.memory_space<hbm>>
      tpu.enqueue_dma source(%dma_start3A_53 : memref<6400xf32, #tpu.memory_space<hbm>>) target(%dma_start3A : memref<6400xf32, #tpu.memory_space<vmem_shared>>) target_semaphore(%run_scoped3A : memref<!tpu.dma_semaphore, #tpu.memory_space<semaphore_mem>>)
      %dma_wait3A = tpu.memref_slice %arg6[%mul3A_2] : memref<102400xf32, #tpu.memory_space<vmem_shared>> -> memref<6400xf32, #tpu.memory_space<vmem_shared>>
      %dma_wait3A_54 = tpu.memref_slice %arg2[%add3A_6] : memref<307200xf32, #tpu.memory_space<hbm>> -> memref<6400xf32, #tpu.memory_space<hbm>>
      tpu.wait_dma2 semaphore(%run_scoped3A : memref<!tpu.dma_semaphore, #tpu.memory_space<semaphore_mem>>) src(%dma_wait3A_54 : memref<6400xf32, #tpu.memory_space<hbm>>) dst(%dma_wait3A : memref<6400xf32, #tpu.memory_space<vmem_shared>>)
      tpu.yield
    }) : () -> ()
    "tpu.region"() ({
      %run_scoped3A = tpu.sem_alloc : memref<!tpu.dma_semaphore, #tpu.memory_space<semaphore_mem>>
      %dma_start3A = tpu.memref_slice %arg9[%mul3A_2] : memref<102400xf32, #tpu.memory_space<vmem_shared>> -> memref<6400xf32, #tpu.memory_space<vmem_shared>>
      %dma_start3A_53 = tpu.memref_slice %arg4[%mul3A_2] : memref<102400xf32, #tpu.memory_space<hbm>> -> memref<6400xf32, #tpu.memory_space<hbm>>
      tpu.enqueue_dma source(%dma_start3A_53 : memref<6400xf32, #tpu.memory_space<hbm>>) target(%dma_start3A : memref<6400xf32, #tpu.memory_space<vmem_shared>>) target_semaphore(%run_scoped3A : memref<!tpu.dma_semaphore, #tpu.memory_space<semaphore_mem>>)
      %dma_wait3A = tpu.memref_slice %arg9[%mul3A_2] : memref<102400xf32, #tpu.memory_space<vmem_shared>> -> memref<6400xf32, #tpu.memory_space<vmem_shared>>
      %dma_wait3A_54 = tpu.memref_slice %arg4[%mul3A_2] : memref<102400xf32, #tpu.memory_space<hbm>> -> memref<6400xf32, #tpu.memory_space<hbm>>
      tpu.wait_dma2 semaphore(%run_scoped3A : memref<!tpu.dma_semaphore, #tpu.memory_space<semaphore_mem>>) src(%dma_wait3A_54 : memref<6400xf32, #tpu.memory_space<hbm>>) dst(%dma_wait3A : memref<6400xf32, #tpu.memory_space<vmem_shared>>)
      tpu.yield
    }) : () -> ()
    %mul3A_7 = arith.constant 6400 : i32
    %mul3A_8 = arith.muli %arg1, %mul3A_7 : i32
    %add3A_9 = arith.constant 102400 : i32
    %add3A_10 = arith.addi %add3A_9, %mul3A_8 : i32
    "tpu.region"() ({
      %run_scoped3A = tpu.sem_alloc : memref<!tpu.dma_semaphore, #tpu.memory_space<semaphore_mem>>
      %dma_start3A = tpu.memref_slice %arg7[%mul3A_2] : memref<102400xf32, #tpu.memory_space<vmem_shared>> -> memref<6400xf32, #tpu.memory_space<vmem_shared>>
      %dma_start3A_53 = tpu.memref_slice %arg2[%add3A_10] : memref<307200xf32, #tpu.memory_space<hbm>> -> memref<6400xf32, #tpu.memory_space<hbm>>
      tpu.enqueue_dma source(%dma_start3A_53 : memref<6400xf32, #tpu.memory_space<hbm>>) target(%dma_start3A : memref<6400xf32, #tpu.memory_space<vmem_shared>>) target_semaphore(%run_scoped3A : memref<!tpu.dma_semaphore, #tpu.memory_space<semaphore_mem>>)
      %dma_wait3A = tpu.memref_slice %arg7[%mul3A_2] : memref<102400xf32, #tpu.memory_space<vmem_shared>> -> memref<6400xf32, #tpu.memory_space<vmem_shared>>
      %dma_wait3A_54 = tpu.memref_slice %arg2[%add3A_10] : memref<307200xf32, #tpu.memory_space<hbm>> -> memref<6400xf32, #tpu.memory_space<hbm>>
      tpu.wait_dma2 semaphore(%run_scoped3A : memref<!tpu.dma_semaphore, #tpu.memory_space<semaphore_mem>>) src(%dma_wait3A_54 : memref<6400xf32, #tpu.memory_space<hbm>>) dst(%dma_wait3A : memref<6400xf32, #tpu.memory_space<vmem_shared>>)
      tpu.yield
    }) : () -> ()
    "tpu.region"() ({
      %run_scoped3A = tpu.sem_alloc : memref<!tpu.dma_semaphore, #tpu.memory_space<semaphore_mem>>
      %dma_start3A = tpu.memref_slice %arg10[%mul3A_2] : memref<102400xf32, #tpu.memory_space<vmem_shared>> -> memref<6400xf32, #tpu.memory_space<vmem_shared>>
      %dma_start3A_53 = tpu.memref_slice %arg4[%mul3A_2] : memref<102400xf32, #tpu.memory_space<hbm>> -> memref<6400xf32, #tpu.memory_space<hbm>>
      tpu.enqueue_dma source(%dma_start3A_53 : memref<6400xf32, #tpu.memory_space<hbm>>) target(%dma_start3A : memref<6400xf32, #tpu.memory_space<vmem_shared>>) target_semaphore(%run_scoped3A : memref<!tpu.dma_semaphore, #tpu.memory_space<semaphore_mem>>)
      %dma_wait3A = tpu.memref_slice %arg10[%mul3A_2] : memref<102400xf32, #tpu.memory_space<vmem_shared>> -> memref<6400xf32, #tpu.memory_space<vmem_shared>>
      %dma_wait3A_54 = tpu.memref_slice %arg4[%mul3A_2] : memref<102400xf32, #tpu.memory_space<hbm>> -> memref<6400xf32, #tpu.memory_space<hbm>>
      tpu.wait_dma2 semaphore(%run_scoped3A : memref<!tpu.dma_semaphore, #tpu.memory_space<semaphore_mem>>) src(%dma_wait3A_54 : memref<6400xf32, #tpu.memory_space<hbm>>) dst(%dma_wait3A : memref<6400xf32, #tpu.memory_space<vmem_shared>>)
      tpu.yield
    }) : () -> ()
    %mul3A_11 = arith.constant 6400 : i32
    %mul3A_12 = arith.muli %arg1, %mul3A_11 : i32
    %add3A_13 = arith.constant 204800 : i32
    %add3A_14 = arith.addi %add3A_13, %mul3A_12 : i32
    "tpu.region"() ({
      %run_scoped3A = tpu.sem_alloc : memref<!tpu.dma_semaphore, #tpu.memory_space<semaphore_mem>>
      %dma_start3A = tpu.memref_slice %arg8[%mul3A_2] : memref<102400xf32, #tpu.memory_space<vmem_shared>> -> memref<6400xf32, #tpu.memory_space<vmem_shared>>
      %dma_start3A_53 = tpu.memref_slice %arg2[%add3A_14] : memref<307200xf32, #tpu.memory_space<hbm>> -> memref<6400xf32, #tpu.memory_space<hbm>>
      tpu.enqueue_dma source(%dma_start3A_53 : memref<6400xf32, #tpu.memory_space<hbm>>) target(%dma_start3A : memref<6400xf32, #tpu.memory_space<vmem_shared>>) target_semaphore(%run_scoped3A : memref<!tpu.dma_semaphore, #tpu.memory_space<semaphore_mem>>)
      %dma_wait3A = tpu.memref_slice %arg8[%mul3A_2] : memref<102400xf32, #tpu.memory_space<vmem_shared>> -> memref<6400xf32, #tpu.memory_space<vmem_shared>>
      %dma_wait3A_54 = tpu.memref_slice %arg2[%add3A_14] : memref<307200xf32, #tpu.memory_space<hbm>> -> memref<6400xf32, #tpu.memory_space<hbm>>
      tpu.wait_dma2 semaphore(%run_scoped3A : memref<!tpu.dma_semaphore, #tpu.memory_space<semaphore_mem>>) src(%dma_wait3A_54 : memref<6400xf32, #tpu.memory_space<hbm>>) dst(%dma_wait3A : memref<6400xf32, #tpu.memory_space<vmem_shared>>)
      tpu.yield
    }) : () -> ()
    "tpu.region"() ({
      %run_scoped3A = tpu.sem_alloc : memref<!tpu.dma_semaphore, #tpu.memory_space<semaphore_mem>>
      %dma_start3A = tpu.memref_slice %arg11[%mul3A_2] : memref<102400xf32, #tpu.memory_space<vmem_shared>> -> memref<6400xf32, #tpu.memory_space<vmem_shared>>
      %dma_start3A_53 = tpu.memref_slice %arg4[%mul3A_2] : memref<102400xf32, #tpu.memory_space<hbm>> -> memref<6400xf32, #tpu.memory_space<hbm>>
      tpu.enqueue_dma source(%dma_start3A_53 : memref<6400xf32, #tpu.memory_space<hbm>>) target(%dma_start3A : memref<6400xf32, #tpu.memory_space<vmem_shared>>) target_semaphore(%run_scoped3A : memref<!tpu.dma_semaphore, #tpu.memory_space<semaphore_mem>>)
      %dma_wait3A = tpu.memref_slice %arg11[%mul3A_2] : memref<102400xf32, #tpu.memory_space<vmem_shared>> -> memref<6400xf32, #tpu.memory_space<vmem_shared>>
      %dma_wait3A_54 = tpu.memref_slice %arg4[%mul3A_2] : memref<102400xf32, #tpu.memory_space<hbm>> -> memref<6400xf32, #tpu.memory_space<hbm>>
      tpu.wait_dma2 semaphore(%run_scoped3A : memref<!tpu.dma_semaphore, #tpu.memory_space<semaphore_mem>>) src(%dma_wait3A_54 : memref<6400xf32, #tpu.memory_space<hbm>>) dst(%dma_wait3A : memref<6400xf32, #tpu.memory_space<vmem_shared>>)
      tpu.yield
    }) : () -> ()
    %barrier3A = arith.constant 0 : index
    tpu.barrier barrier_id(%barrier3A)
    %mul3A_15 = arith.constant 3 : i32
    %mul3A_16 = arith.muli %add3A, %mul3A_15 : i32
    %mul3A_17 = arith.constant 50 : i32
    %mul3A_18 = arith.muli %mul3A_16, %mul3A_17 : i32
    %mul3A_19 = arith.constant 128 : i32
    %mul3A_20 = arith.muli %mul3A_18, %mul3A_19 : i32
    %scan3A = arith.constant 0 : i32
    %scan3A_21 = arith.constant 50 : i32
    %scan3A_22 = arith.addi %scan3A, %scan3A_21 : i32
    %scan3A_23 = arith.constant 1 : i32
    scf.for %scan3A_53 = %scan3A to %scan3A_22 step %scan3A_23  : i32 {
      %add3A_54 = arith.constant 0 : i32
      %add3A_55 = arith.addi %mul3A_20, %add3A_54 : i32
      %mul3A_56 = arith.constant 128 : i32
      %mul3A_57 = arith.muli %scan3A_53, %mul3A_56 : i32
      %add3A_58 = arith.addi %add3A_55, %mul3A_57 : i32
      "tpu.region"() ({
        %run_scoped3A = tpu.sem_alloc : memref<!tpu.dma_semaphore, #tpu.memory_space<semaphore_mem>>
        %dma_start3A = tpu.memref_slice %arg3[%add3A_58] : memref<614400xi32, #tpu.memory_space<hbm>> -> memref<128xi32, #tpu.memory_space<hbm>>
        %dma_start3A_498 = tpu.memref_slice %arg3[%add3A_58] : memref<614400xi32, #tpu.memory_space<hbm>> -> memref<128xi32, #tpu.memory_space<hbm>>
        tpu.enqueue_dma source(%dma_start3A_498 : memref<128xi32, #tpu.memory_space<hbm>>) target(%arg12 : memref<128xi32, #tpu.memory_space<vmem>>) target_semaphore(%run_scoped3A : memref<!tpu.dma_semaphore, #tpu.memory_space<semaphore_mem>>)
        %dma_wait3A = tpu.memref_slice %arg3[%add3A_58] : memref<614400xi32, #tpu.memory_space<hbm>> -> memref<128xi32, #tpu.memory_space<hbm>>
        %dma_wait3A_499 = tpu.memref_slice %arg3[%add3A_58] : memref<614400xi32, #tpu.memory_space<hbm>> -> memref<128xi32, #tpu.memory_space<hbm>>
        tpu.wait_dma2 semaphore(%run_scoped3A : memref<!tpu.dma_semaphore, #tpu.memory_space<semaphore_mem>>) src(%dma_wait3A_499 : memref<128xi32, #tpu.memory_space<hbm>>) dst(%arg12 : memref<128xi32, #tpu.memory_space<vmem>>)
        tpu.yield
      }) : () -> ()
      "tpu.region"() ({
        %run_scoped3A = tpu.sem_alloc : memref<!tpu.dma_semaphore, #tpu.memory_space<semaphore_mem>>
        %dma_start3A = arith.constant 0 : i32
        %dma_start3A_498 = tpu.memref_slice %arg6[%dma_start3A] : memref<102400xf32, #tpu.memory_space<vmem_shared>> -> memref<102400xf32, #tpu.memory_space<vmem_shared>>
        tpu.enqueue_indirect_dma source(%dma_start3A_498 : memref<102400xf32, #tpu.memory_space<vmem_shared>>) target(%arg15 : memref<128xf32, #tpu.memory_space<vmem>>) offsets(%arg12 : memref<128xi32, #tpu.memory_space<vmem>>) semaphore(%run_scoped3A : memref<!tpu.dma_semaphore, #tpu.memory_space<semaphore_mem>>)
        %dma_wait3A = arith.constant 0 : i32
        %dma_wait3A_499 = tpu.memref_slice %arg6[%dma_wait3A] : memref<102400xf32, #tpu.memory_space<vmem_shared>> -> memref<102400xf32, #tpu.memory_space<vmem_shared>>
        tpu.wait_indirect_dma semaphore(%run_scoped3A : memref<!tpu.dma_semaphore, #tpu.memory_space<semaphore_mem>>) src(%dma_wait3A_499 : memref<102400xf32, #tpu.memory_space<vmem_shared>>) dst(%arg15 : memref<128xf32, #tpu.memory_space<vmem>>)
        tpu.yield
      }) : () -> ()
      "tpu.region"() ({
        %run_scoped3A = tpu.sem_alloc : memref<!tpu.dma_semaphore, #tpu.memory_space<semaphore_mem>>
        %dma_start3A = arith.constant 0 : i32
        %dma_start3A_498 = tpu.memref_slice %arg7[%dma_start3A] : memref<102400xf32, #tpu.memory_space<vmem_shared>> -> memref<102400xf32, #tpu.memory_space<vmem_shared>>
        tpu.enqueue_indirect_dma source(%dma_start3A_498 : memref<102400xf32, #tpu.memory_space<vmem_shared>>) target(%arg16 : memref<128xf32, #tpu.memory_space<vmem>>) offsets(%arg12 : memref<128xi32, #tpu.memory_space<vmem>>) semaphore(%run_scoped3A : memref<!tpu.dma_semaphore, #tpu.memory_space<semaphore_mem>>)
        %dma_wait3A = arith.constant 0 : i32
        %dma_wait3A_499 = tpu.memref_slice %arg7[%dma_wait3A] : memref<102400xf32, #tpu.memory_space<vmem_shared>> -> memref<102400xf32, #tpu.memory_space<vmem_shared>>
        tpu.wait_indirect_dma semaphore(%run_scoped3A : memref<!tpu.dma_semaphore, #tpu.memory_space<semaphore_mem>>) src(%dma_wait3A_499 : memref<102400xf32, #tpu.memory_space<vmem_shared>>) dst(%arg16 : memref<128xf32, #tpu.memory_space<vmem>>)
        tpu.yield
      }) : () -> ()
      "tpu.region"() ({
        %run_scoped3A = tpu.sem_alloc : memref<!tpu.dma_semaphore, #tpu.memory_space<semaphore_mem>>
        %dma_start3A = arith.constant 0 : i32
        %dma_start3A_498 = tpu.memref_slice %arg8[%dma_start3A] : memref<102400xf32, #tpu.memory_space<vmem_shared>> -> memref<102400xf32, #tpu.memory_space<vmem_shared>>
        tpu.enqueue_indirect_dma source(%dma_start3A_498 : memref<102400xf32, #tpu.memory_space<vmem_shared>>) target(%arg17 : memref<128xf32, #tpu.memory_space<vmem>>) offsets(%arg12 : memref<128xi32, #tpu.memory_space<vmem>>) semaphore(%run_scoped3A : memref<!tpu.dma_semaphore, #tpu.memory_space<semaphore_mem>>)
        %dma_wait3A = arith.constant 0 : i32
        %dma_wait3A_499 = tpu.memref_slice %arg8[%dma_wait3A] : memref<102400xf32, #tpu.memory_space<vmem_shared>> -> memref<102400xf32, #tpu.memory_space<vmem_shared>>
        tpu.wait_indirect_dma semaphore(%run_scoped3A : memref<!tpu.dma_semaphore, #tpu.memory_space<semaphore_mem>>) src(%dma_wait3A_499 : memref<102400xf32, #tpu.memory_space<vmem_shared>>) dst(%arg17 : memref<128xf32, #tpu.memory_space<vmem>>)
        tpu.yield
      }) : () -> ()
      %add3A_59 = arith.constant 6400 : i32
      %add3A_60 = arith.addi %mul3A_20, %add3A_59 : i32
      %mul3A_61 = arith.constant 128 : i32
      %mul3A_62 = arith.muli %scan3A_53, %mul3A_61 : i32
      %add3A_63 = arith.addi %add3A_60, %mul3A_62 : i32
      "tpu.region"() ({
        %run_scoped3A = tpu.sem_alloc : memref<!tpu.dma_semaphore, #tpu.memory_space<semaphore_mem>>
        %dma_start3A = tpu.memref_slice %arg3[%add3A_63] : memref<614400xi32, #tpu.memory_space<hbm>> -> memref<128xi32, #tpu.memory_space<hbm>>
        %dma_start3A_498 = tpu.memref_slice %arg3[%add3A_63] : memref<614400xi32, #tpu.memory_space<hbm>> -> memref<128xi32, #tpu.memory_space<hbm>>
        tpu.enqueue_dma source(%dma_start3A_498 : memref<128xi32, #tpu.memory_space<hbm>>) target(%arg13 : memref<128xi32, #tpu.memory_space<vmem>>) target_semaphore(%run_scoped3A : memref<!tpu.dma_semaphore, #tpu.memory_space<semaphore_mem>>)
        %dma_wait3A = tpu.memref_slice %arg3[%add3A_63] : memref<614400xi32, #tpu.memory_space<hbm>> -> memref<128xi32, #tpu.memory_space<hbm>>
        %dma_wait3A_499 = tpu.memref_slice %arg3[%add3A_63] : memref<614400xi32, #tpu.memory_space<hbm>> -> memref<128xi32, #tpu.memory_space<hbm>>
        tpu.wait_dma2 semaphore(%run_scoped3A : memref<!tpu.dma_semaphore, #tpu.memory_space<semaphore_mem>>) src(%dma_wait3A_499 : memref<128xi32, #tpu.memory_space<hbm>>) dst(%arg13 : memref<128xi32, #tpu.memory_space<vmem>>)
        tpu.yield
      }) : () -> ()
      "tpu.region"() ({
        %run_scoped3A = tpu.sem_alloc : memref<!tpu.dma_semaphore, #tpu.memory_space<semaphore_mem>>
        %dma_start3A = arith.constant 0 : i32
        %dma_start3A_498 = tpu.memref_slice %arg6[%dma_start3A] : memref<102400xf32, #tpu.memory_space<vmem_shared>> -> memref<102400xf32, #tpu.memory_space<vmem_shared>>
        tpu.enqueue_indirect_dma source(%dma_start3A_498 : memref<102400xf32, #tpu.memory_space<vmem_shared>>) target(%arg18 : memref<128xf32, #tpu.memory_space<vmem>>) offsets(%arg13 : memref<128xi32, #tpu.memory_space<vmem>>) semaphore(%run_scoped3A : memref<!tpu.dma_semaphore, #tpu.memory_space<semaphore_mem>>)
        %dma_wait3A = arith.constant 0 : i32
        %dma_wait3A_499 = tpu.memref_slice %arg6[%dma_wait3A] : memref<102400xf32, #tpu.memory_space<vmem_shared>> -> memref<102400xf32, #tpu.memory_space<vmem_shared>>
        tpu.wait_indirect_dma semaphore(%run_scoped3A : memref<!tpu.dma_semaphore, #tpu.memory_space<semaphore_mem>>) src(%dma_wait3A_499 : memref<102400xf32, #tpu.memory_space<vmem_shared>>) dst(%arg18 : memref<128xf32, #tpu.memory_space<vmem>>)
        tpu.yield
      }) : () -> ()
      "tpu.region"() ({
        %run_scoped3A = tpu.sem_alloc : memref<!tpu.dma_semaphore, #tpu.memory_space<semaphore_mem>>
        %dma_start3A = arith.constant 0 : i32
        %dma_start3A_498 = tpu.memref_slice %arg7[%dma_start3A] : memref<102400xf32, #tpu.memory_space<vmem_shared>> -> memref<102400xf32, #tpu.memory_space<vmem_shared>>
        tpu.enqueue_indirect_dma source(%dma_start3A_498 : memref<102400xf32, #tpu.memory_space<vmem_shared>>) target(%arg19 : memref<128xf32, #tpu.memory_space<vmem>>) offsets(%arg13 : memref<128xi32, #tpu.memory_space<vmem>>) semaphore(%run_scoped3A : memref<!tpu.dma_semaphore, #tpu.memory_space<semaphore_mem>>)
        %dma_wait3A = arith.constant 0 : i32
        %dma_wait3A_499 = tpu.memref_slice %arg7[%dma_wait3A] : memref<102400xf32, #tpu.memory_space<vmem_shared>> -> memref<102400xf32, #tpu.memory_space<vmem_shared>>
        tpu.wait_indirect_dma semaphore(%run_scoped3A : memref<!tpu.dma_semaphore, #tpu.memory_space<semaphore_mem>>) src(%dma_wait3A_499 : memref<102400xf32, #tpu.memory_space<vmem_shared>>) dst(%arg19 : memref<128xf32, #tpu.memory_space<vmem>>)
        tpu.yield
      }) : () -> ()
      "tpu.region"() ({
        %run_scoped3A = tpu.sem_alloc : memref<!tpu.dma_semaphore, #tpu.memory_space<semaphore_mem>>
        %dma_start3A = arith.constant 0 : i32
        %dma_start3A_498 = tpu.memref_slice %arg8[%dma_start3A] : memref<102400xf32, #tpu.memory_space<vmem_shared>> -> memref<102400xf32, #tpu.memory_space<vmem_shared>>
        tpu.enqueue_indirect_dma source(%dma_start3A_498 : memref<102400xf32, #tpu.memory_space<vmem_shared>>) target(%arg20 : memref<128xf32, #tpu.memory_space<vmem>>) offsets(%arg13 : memref<128xi32, #tpu.memory_space<vmem>>) semaphore(%run_scoped3A : memref<!tpu.dma_semaphore, #tpu.memory_space<semaphore_mem>>)
        %dma_wait3A = arith.constant 0 : i32
        %dma_wait3A_499 = tpu.memref_slice %arg8[%dma_wait3A] : memref<102400xf32, #tpu.memory_space<vmem_shared>> -> memref<102400xf32, #tpu.memory_space<vmem_shared>>
        tpu.wait_indirect_dma semaphore(%run_scoped3A : memref<!tpu.dma_semaphore, #tpu.memory_space<semaphore_mem>>) src(%dma_wait3A_499 : memref<102400xf32, #tpu.memory_space<vmem_shared>>) dst(%arg20 : memref<128xf32, #tpu.memory_space<vmem>>)
        tpu.yield
      }) : () -> ()
      %add3A_64 = arith.constant 12800 : i32
      %add3A_65 = arith.addi %mul3A_20, %add3A_64 : i32
      %mul3A_66 = arith.constant 128 : i32
      %mul3A_67 = arith.muli %scan3A_53, %mul3A_66 : i32
      %add3A_68 = arith.addi %add3A_65, %mul3A_67 : i32
      "tpu.region"() ({
        %run_scoped3A = tpu.sem_alloc : memref<!tpu.dma_semaphore, #tpu.memory_space<semaphore_mem>>
        %dma_start3A = tpu.memref_slice %arg3[%add3A_68] : memref<614400xi32, #tpu.memory_space<hbm>> -> memref<128xi32, #tpu.memory_space<hbm>>
        %dma_start3A_498 = tpu.memref_slice %arg3[%add3A_68] : memref<614400xi32, #tpu.memory_space<hbm>> -> memref<128xi32, #tpu.memory_space<hbm>>
        tpu.enqueue_dma source(%dma_start3A_498 : memref<128xi32, #tpu.memory_space<hbm>>) target(%arg14 : memref<128xi32, #tpu.memory_space<vmem>>) target_semaphore(%run_scoped3A : memref<!tpu.dma_semaphore, #tpu.memory_space<semaphore_mem>>)
        %dma_wait3A = tpu.memref_slice %arg3[%add3A_68] : memref<614400xi32, #tpu.memory_space<hbm>> -> memref<128xi32, #tpu.memory_space<hbm>>
        %dma_wait3A_499 = tpu.memref_slice %arg3[%add3A_68] : memref<614400xi32, #tpu.memory_space<hbm>> -> memref<128xi32, #tpu.memory_space<hbm>>
        tpu.wait_dma2 semaphore(%run_scoped3A : memref<!tpu.dma_semaphore, #tpu.memory_space<semaphore_mem>>) src(%dma_wait3A_499 : memref<128xi32, #tpu.memory_space<hbm>>) dst(%arg14 : memref<128xi32, #tpu.memory_space<vmem>>)
        tpu.yield
      }) : () -> ()
      "tpu.region"() ({
        %run_scoped3A = tpu.sem_alloc : memref<!tpu.dma_semaphore, #tpu.memory_space<semaphore_mem>>
        %dma_start3A = arith.constant 0 : i32
        %dma_start3A_498 = tpu.memref_slice %arg6[%dma_start3A] : memref<102400xf32, #tpu.memory_space<vmem_shared>> -> memref<102400xf32, #tpu.memory_space<vmem_shared>>
        tpu.enqueue_indirect_dma source(%dma_start3A_498 : memref<102400xf32, #tpu.memory_space<vmem_shared>>) target(%arg21 : memref<128xf32, #tpu.memory_space<vmem>>) offsets(%arg14 : memref<128xi32, #tpu.memory_space<vmem>>) semaphore(%run_scoped3A : memref<!tpu.dma_semaphore, #tpu.memory_space<semaphore_mem>>)
        %dma_wait3A = arith.constant 0 : i32
        %dma_wait3A_499 = tpu.memref_slice %arg6[%dma_wait3A] : memref<102400xf32, #tpu.memory_space<vmem_shared>> -> memref<102400xf32, #tpu.memory_space<vmem_shared>>
        tpu.wait_indirect_dma semaphore(%run_scoped3A : memref<!tpu.dma_semaphore, #tpu.memory_space<semaphore_mem>>) src(%dma_wait3A_499 : memref<102400xf32, #tpu.memory_space<vmem_shared>>) dst(%arg21 : memref<128xf32, #tpu.memory_space<vmem>>)
        tpu.yield
      }) : () -> ()
      "tpu.region"() ({
        %run_scoped3A = tpu.sem_alloc : memref<!tpu.dma_semaphore, #tpu.memory_space<semaphore_mem>>
        %dma_start3A = arith.constant 0 : i32
        %dma_start3A_498 = tpu.memref_slice %arg7[%dma_start3A] : memref<102400xf32, #tpu.memory_space<vmem_shared>> -> memref<102400xf32, #tpu.memory_space<vmem_shared>>
        tpu.enqueue_indirect_dma source(%dma_start3A_498 : memref<102400xf32, #tpu.memory_space<vmem_shared>>) target(%arg22 : memref<128xf32, #tpu.memory_space<vmem>>) offsets(%arg14 : memref<128xi32, #tpu.memory_space<vmem>>) semaphore(%run_scoped3A : memref<!tpu.dma_semaphore, #tpu.memory_space<semaphore_mem>>)
        %dma_wait3A = arith.constant 0 : i32
        %dma_wait3A_499 = tpu.memref_slice %arg7[%dma_wait3A] : memref<102400xf32, #tpu.memory_space<vmem_shared>> -> memref<102400xf32, #tpu.memory_space<vmem_shared>>
        tpu.wait_indirect_dma semaphore(%run_scoped3A : memref<!tpu.dma_semaphore, #tpu.memory_space<semaphore_mem>>) src(%dma_wait3A_499 : memref<102400xf32, #tpu.memory_space<vmem_shared>>) dst(%arg22 : memref<128xf32, #tpu.memory_space<vmem>>)
        tpu.yield
      }) : () -> ()
      "tpu.region"() ({
        %run_scoped3A = tpu.sem_alloc : memref<!tpu.dma_semaphore, #tpu.memory_space<semaphore_mem>>
        %dma_start3A = arith.constant 0 : i32
        %dma_start3A_498 = tpu.memref_slice %arg8[%dma_start3A] : memref<102400xf32, #tpu.memory_space<vmem_shared>> -> memref<102400xf32, #tpu.memory_space<vmem_shared>>
        tpu.enqueue_indirect_dma source(%dma_start3A_498 : memref<102400xf32, #tpu.memory_space<vmem_shared>>) target(%arg23 : memref<128xf32, #tpu.memory_space<vmem>>) offsets(%arg14 : memref<128xi32, #tpu.memory_space<vmem>>) semaphore(%run_scoped3A : memref<!tpu.dma_semaphore, #tpu.memory_space<semaphore_mem>>)
        %dma_wait3A = arith.constant 0 : i32
        %dma_wait3A_499 = tpu.memref_slice %arg8[%dma_wait3A] : memref<102400xf32, #tpu.memory_space<vmem_shared>> -> memref<102400xf32, #tpu.memory_space<vmem_shared>>
        tpu.wait_indirect_dma semaphore(%run_scoped3A : memref<!tpu.dma_semaphore, #tpu.memory_space<semaphore_mem>>) src(%dma_wait3A_499 : memref<102400xf32, #tpu.memory_space<vmem_shared>>) dst(%arg23 : memref<128xf32, #tpu.memory_space<vmem>>)
        tpu.yield
      }) : () -> ()
      %get3A = arith.constant 0 : index
      %get3A_69 = tpu.vector_load %arg15[%get3A] {strides = array<i32>} : memref<128xf32, #tpu.memory_space<vmem>>, vector<16xf32>,
      %get3A_70 = vector.shape_cast %get3A_69 : vector<16xf32> to vector<16xf32>
      %get3A_71 = arith.constant 0 : index
      %get3A_72 = tpu.vector_load %arg16[%get3A_71] {strides = array<i32>} : memref<128xf32, #tpu.memory_space<vmem>>, vector<16xf32>,
      %get3A_73 = vector.shape_cast %get3A_72 : vector<16xf32> to vector<16xf32>
      %get3A_74 = arith.constant 0 : index
      %get3A_75 = tpu.vector_load %arg17[%get3A_74] {strides = array<i32>} : memref<128xf32, #tpu.memory_space<vmem>>, vector<16xf32>,
      %get3A_76 = vector.shape_cast %get3A_75 : vector<16xf32> to vector<16xf32>
      %get3A_77 = arith.constant 0 : index
      %get3A_78 = tpu.vector_load %arg18[%get3A_77] {strides = array<i32>} : memref<128xf32, #tpu.memory_space<vmem>>, vector<16xf32>,
      %get3A_79 = vector.shape_cast %get3A_78 : vector<16xf32> to vector<16xf32>
      %get3A_80 = arith.constant 0 : index
      %get3A_81 = tpu.vector_load %arg19[%get3A_80] {strides = array<i32>} : memref<128xf32, #tpu.memory_space<vmem>>, vector<16xf32>,
      %get3A_82 = vector.shape_cast %get3A_81 : vector<16xf32> to vector<16xf32>
      %get3A_83 = arith.constant 0 : index
      %get3A_84 = tpu.vector_load %arg20[%get3A_83] {strides = array<i32>} : memref<128xf32, #tpu.memory_space<vmem>>, vector<16xf32>,
      %get3A_85 = vector.shape_cast %get3A_84 : vector<16xf32> to vector<16xf32>
      %get3A_86 = arith.constant 0 : index
      %get3A_87 = tpu.vector_load %arg21[%get3A_86] {strides = array<i32>} : memref<128xf32, #tpu.memory_space<vmem>>, vector<16xf32>,
      %get3A_88 = vector.shape_cast %get3A_87 : vector<16xf32> to vector<16xf32>
      %get3A_89 = arith.constant 0 : index
      %get3A_90 = tpu.vector_load %arg22[%get3A_89] {strides = array<i32>} : memref<128xf32, #tpu.memory_space<vmem>>, vector<16xf32>,
      %get3A_91 = vector.shape_cast %get3A_90 : vector<16xf32> to vector<16xf32>
      %get3A_92 = arith.constant 0 : index
      %get3A_93 = tpu.vector_load %arg23[%get3A_92] {strides = array<i32>} : memref<128xf32, #tpu.memory_space<vmem>>, vector<16xf32>,
      %get3A_94 = vector.shape_cast %get3A_93 : vector<16xf32> to vector<16xf32>
      %sub3A = arith.subf %get3A_79, %get3A_70 : vector<16xf32>
      %sub3A_95 = arith.subf %get3A_82, %get3A_73 : vector<16xf32>
      %sub3A_96 = arith.subf %get3A_85, %get3A_76 : vector<16xf32>
      %sub3A_97 = arith.subf %get3A_88, %get3A_70 : vector<16xf32>
      %sub3A_98 = arith.subf %get3A_91, %get3A_73 : vector<16xf32>
      %sub3A_99 = arith.subf %get3A_94, %get3A_76 : vector<16xf32>
      %mul3A_100 = arith.mulf %sub3A_95, %sub3A_99 : vector<16xf32>
      %mul3A_101 = arith.mulf %sub3A_96, %sub3A_98 : vector<16xf32>
      %sub3A_102 = arith.subf %mul3A_100, %mul3A_101 : vector<16xf32>
      %swap3A = arith.constant 0 : index
      %swap3A_103 = tpu.vector_load %arg24[%swap3A] {strides = array<i32>} : memref<128xf32, #tpu.memory_space<vmem>>, vector<16xf32>,
      %swap3A_104 = vector.shape_cast %swap3A_103 : vector<16xf32> to vector<16xf32>
      %swap3A_105 = vector.shape_cast %sub3A_102 : vector<16xf32> to vector<16xf32>
      tpu.vector_store %arg24[%swap3A], %swap3A_105 {strides = array<i32>} : memref<128xf32, #tpu.memory_space<vmem>>, vector<16xf32>,
      %mul3A_106 = arith.mulf %sub3A_96, %sub3A_97 : vector<16xf32>
      %mul3A_107 = arith.mulf %sub3A, %sub3A_99 : vector<16xf32>
      %sub3A_108 = arith.subf %mul3A_106, %mul3A_107 : vector<16xf32>
      %swap3A_109 = arith.constant 0 : index
      %swap3A_110 = tpu.vector_load %arg25[%swap3A_109] {strides = array<i32>} : memref<128xf32, #tpu.memory_space<vmem>>, vector<16xf32>,
      %swap3A_111 = vector.shape_cast %swap3A_110 : vector<16xf32> to vector<16xf32>
      %swap3A_112 = vector.shape_cast %sub3A_108 : vector<16xf32> to vector<16xf32>
      tpu.vector_store %arg25[%swap3A_109], %swap3A_112 {strides = array<i32>} : memref<128xf32, #tpu.memory_space<vmem>>, vector<16xf32>,
      %mul3A_113 = arith.mulf %sub3A, %sub3A_98 : vector<16xf32>
      %mul3A_114 = arith.mulf %sub3A_95, %sub3A_97 : vector<16xf32>
      %sub3A_115 = arith.subf %mul3A_113, %mul3A_114 : vector<16xf32>
      %swap3A_116 = arith.constant 0 : index
      %swap3A_117 = tpu.vector_load %arg26[%swap3A_116] {strides = array<i32>} : memref<128xf32, #tpu.memory_space<vmem>>, vector<16xf32>,
      %swap3A_118 = vector.shape_cast %swap3A_117 : vector<16xf32> to vector<16xf32>
      %swap3A_119 = vector.shape_cast %sub3A_115 : vector<16xf32> to vector<16xf32>
      tpu.vector_store %arg26[%swap3A_116], %swap3A_119 {strides = array<i32>} : memref<128xf32, #tpu.memory_space<vmem>>, vector<16xf32>,
      %get3A_120 = arith.constant 16 : index
      %get3A_121 = tpu.vector_load %arg15[%get3A_120] {strides = array<i32>} : memref<128xf32, #tpu.memory_space<vmem>>, vector<16xf32>,
      %get3A_122 = vector.shape_cast %get3A_121 : vector<16xf32> to vector<16xf32>
      %get3A_123 = arith.constant 16 : index
      %get3A_124 = tpu.vector_load %arg16[%get3A_123] {strides = array<i32>} : memref<128xf32, #tpu.memory_space<vmem>>, vector<16xf32>,
      %get3A_125 = vector.shape_cast %get3A_124 : vector<16xf32> to vector<16xf32>
      %get3A_126 = arith.constant 16 : index
      %get3A_127 = tpu.vector_load %arg17[%get3A_126] {strides = array<i32>} : memref<128xf32, #tpu.memory_space<vmem>>, vector<16xf32>,
      %get3A_128 = vector.shape_cast %get3A_127 : vector<16xf32> to vector<16xf32>
      %get3A_129 = arith.constant 16 : index
      %get3A_130 = tpu.vector_load %arg18[%get3A_129] {strides = array<i32>} : memref<128xf32, #tpu.memory_space<vmem>>, vector<16xf32>,
      %get3A_131 = vector.shape_cast %get3A_130 : vector<16xf32> to vector<16xf32>
      %get3A_132 = arith.constant 16 : index
      %get3A_133 = tpu.vector_load %arg19[%get3A_132] {strides = array<i32>} : memref<128xf32, #tpu.memory_space<vmem>>, vector<16xf32>,
      %get3A_134 = vector.shape_cast %get3A_133 : vector<16xf32> to vector<16xf32>
      %get3A_135 = arith.constant 16 : index
      %get3A_136 = tpu.vector_load %arg20[%get3A_135] {strides = array<i32>} : memref<128xf32, #tpu.memory_space<vmem>>, vector<16xf32>,
      %get3A_137 = vector.shape_cast %get3A_136 : vector<16xf32> to vector<16xf32>
      %get3A_138 = arith.constant 16 : index
      %get3A_139 = tpu.vector_load %arg21[%get3A_138] {strides = array<i32>} : memref<128xf32, #tpu.memory_space<vmem>>, vector<16xf32>,
      %get3A_140 = vector.shape_cast %get3A_139 : vector<16xf32> to vector<16xf32>
      %get3A_141 = arith.constant 16 : index
      %get3A_142 = tpu.vector_load %arg22[%get3A_141] {strides = array<i32>} : memref<128xf32, #tpu.memory_space<vmem>>, vector<16xf32>,
      %get3A_143 = vector.shape_cast %get3A_142 : vector<16xf32> to vector<16xf32>
      %get3A_144 = arith.constant 16 : index
      %get3A_145 = tpu.vector_load %arg23[%get3A_144] {strides = array<i32>} : memref<128xf32, #tpu.memory_space<vmem>>, vector<16xf32>,
      %get3A_146 = vector.shape_cast %get3A_145 : vector<16xf32> to vector<16xf32>
      %sub3A_147 = arith.subf %get3A_131, %get3A_122 : vector<16xf32>
      %sub3A_148 = arith.subf %get3A_134, %get3A_125 : vector<16xf32>
      %sub3A_149 = arith.subf %get3A_137, %get3A_128 : vector<16xf32>
      %sub3A_150 = arith.subf %get3A_140, %get3A_122 : vector<16xf32>
      %sub3A_151 = arith.subf %get3A_143, %get3A_125 : vector<16xf32>
      %sub3A_152 = arith.subf %get3A_146, %get3A_128 : vector<16xf32>
      %mul3A_153 = arith.mulf %sub3A_148, %sub3A_152 : vector<16xf32>
      %mul3A_154 = arith.mulf %sub3A_149, %sub3A_151 : vector<16xf32>
      %sub3A_155 = arith.subf %mul3A_153, %mul3A_154 : vector<16xf32>
      %swap3A_156 = arith.constant 16 : index
      %swap3A_157 = tpu.vector_load %arg24[%swap3A_156] {strides = array<i32>} : memref<128xf32, #tpu.memory_space<vmem>>, vector<16xf32>,
      %swap3A_158 = vector.shape_cast %swap3A_157 : vector<16xf32> to vector<16xf32>
      %swap3A_159 = vector.shape_cast %sub3A_155 : vector<16xf32> to vector<16xf32>
      tpu.vector_store %arg24[%swap3A_156], %swap3A_159 {strides = array<i32>} : memref<128xf32, #tpu.memory_space<vmem>>, vector<16xf32>,
      %mul3A_160 = arith.mulf %sub3A_149, %sub3A_150 : vector<16xf32>
      %mul3A_161 = arith.mulf %sub3A_147, %sub3A_152 : vector<16xf32>
      %sub3A_162 = arith.subf %mul3A_160, %mul3A_161 : vector<16xf32>
      %swap3A_163 = arith.constant 16 : index
      %swap3A_164 = tpu.vector_load %arg25[%swap3A_163] {strides = array<i32>} : memref<128xf32, #tpu.memory_space<vmem>>, vector<16xf32>,
      %swap3A_165 = vector.shape_cast %swap3A_164 : vector<16xf32> to vector<16xf32>
      %swap3A_166 = vector.shape_cast %sub3A_162 : vector<16xf32> to vector<16xf32>
      tpu.vector_store %arg25[%swap3A_163], %swap3A_166 {strides = array<i32>} : memref<128xf32, #tpu.memory_space<vmem>>, vector<16xf32>,
      %mul3A_167 = arith.mulf %sub3A_147, %sub3A_151 : vector<16xf32>
      %mul3A_168 = arith.mulf %sub3A_148, %sub3A_150 : vector<16xf32>
      %sub3A_169 = arith.subf %mul3A_167, %mul3A_168 : vector<16xf32>
      %swap3A_170 = arith.constant 16 : index
      %swap3A_171 = tpu.vector_load %arg26[%swap3A_170] {strides = array<i32>} : memref<128xf32, #tpu.memory_space<vmem>>, vector<16xf32>,
      %swap3A_172 = vector.shape_cast %swap3A_171 : vector<16xf32> to vector<16xf32>
      %swap3A_173 = vector.shape_cast %sub3A_169 : vector<16xf32> to vector<16xf32>
      tpu.vector_store %arg26[%swap3A_170], %swap3A_173 {strides = array<i32>} : memref<128xf32, #tpu.memory_space<vmem>>, vector<16xf32>,
      %get3A_174 = arith.constant 32 : index
      %get3A_175 = tpu.vector_load %arg15[%get3A_174] {strides = array<i32>} : memref<128xf32, #tpu.memory_space<vmem>>, vector<16xf32>,
      %get3A_176 = vector.shape_cast %get3A_175 : vector<16xf32> to vector<16xf32>
      %get3A_177 = arith.constant 32 : index
      %get3A_178 = tpu.vector_load %arg16[%get3A_177] {strides = array<i32>} : memref<128xf32, #tpu.memory_space<vmem>>, vector<16xf32>,
      %get3A_179 = vector.shape_cast %get3A_178 : vector<16xf32> to vector<16xf32>
      %get3A_180 = arith.constant 32 : index
      %get3A_181 = tpu.vector_load %arg17[%get3A_180] {strides = array<i32>} : memref<128xf32, #tpu.memory_space<vmem>>, vector<16xf32>,
      %get3A_182 = vector.shape_cast %get3A_181 : vector<16xf32> to vector<16xf32>
      %get3A_183 = arith.constant 32 : index
      %get3A_184 = tpu.vector_load %arg18[%get3A_183] {strides = array<i32>} : memref<128xf32, #tpu.memory_space<vmem>>, vector<16xf32>,
      %get3A_185 = vector.shape_cast %get3A_184 : vector<16xf32> to vector<16xf32>
      %get3A_186 = arith.constant 32 : index
      %get3A_187 = tpu.vector_load %arg19[%get3A_186] {strides = array<i32>} : memref<128xf32, #tpu.memory_space<vmem>>, vector<16xf32>,
      %get3A_188 = vector.shape_cast %get3A_187 : vector<16xf32> to vector<16xf32>
      %get3A_189 = arith.constant 32 : index
      %get3A_190 = tpu.vector_load %arg20[%get3A_189] {strides = array<i32>} : memref<128xf32, #tpu.memory_space<vmem>>, vector<16xf32>,
      %get3A_191 = vector.shape_cast %get3A_190 : vector<16xf32> to vector<16xf32>
      %get3A_192 = arith.constant 32 : index
      %get3A_193 = tpu.vector_load %arg21[%get3A_192] {strides = array<i32>} : memref<128xf32, #tpu.memory_space<vmem>>, vector<16xf32>,
      %get3A_194 = vector.shape_cast %get3A_193 : vector<16xf32> to vector<16xf32>
      %get3A_195 = arith.constant 32 : index
      %get3A_196 = tpu.vector_load %arg22[%get3A_195] {strides = array<i32>} : memref<128xf32, #tpu.memory_space<vmem>>, vector<16xf32>,
      %get3A_197 = vector.shape_cast %get3A_196 : vector<16xf32> to vector<16xf32>
      %get3A_198 = arith.constant 32 : index
      %get3A_199 = tpu.vector_load %arg23[%get3A_198] {strides = array<i32>} : memref<128xf32, #tpu.memory_space<vmem>>, vector<16xf32>,
      %get3A_200 = vector.shape_cast %get3A_199 : vector<16xf32> to vector<16xf32>
      %sub3A_201 = arith.subf %get3A_185, %get3A_176 : vector<16xf32>
      %sub3A_202 = arith.subf %get3A_188, %get3A_179 : vector<16xf32>
      %sub3A_203 = arith.subf %get3A_191, %get3A_182 : vector<16xf32>
      %sub3A_204 = arith.subf %get3A_194, %get3A_176 : vector<16xf32>
      %sub3A_205 = arith.subf %get3A_197, %get3A_179 : vector<16xf32>
      %sub3A_206 = arith.subf %get3A_200, %get3A_182 : vector<16xf32>
      %mul3A_207 = arith.mulf %sub3A_202, %sub3A_206 : vector<16xf32>
      %mul3A_208 = arith.mulf %sub3A_203, %sub3A_205 : vector<16xf32>
      %sub3A_209 = arith.subf %mul3A_207, %mul3A_208 : vector<16xf32>
      %swap3A_210 = arith.constant 32 : index
      %swap3A_211 = tpu.vector_load %arg24[%swap3A_210] {strides = array<i32>} : memref<128xf32, #tpu.memory_space<vmem>>, vector<16xf32>,
      %swap3A_212 = vector.shape_cast %swap3A_211 : vector<16xf32> to vector<16xf32>
      %swap3A_213 = vector.shape_cast %sub3A_209 : vector<16xf32> to vector<16xf32>
      tpu.vector_store %arg24[%swap3A_210], %swap3A_213 {strides = array<i32>} : memref<128xf32, #tpu.memory_space<vmem>>, vector<16xf32>,
      %mul3A_214 = arith.mulf %sub3A_203, %sub3A_204 : vector<16xf32>
      %mul3A_215 = arith.mulf %sub3A_201, %sub3A_206 : vector<16xf32>
      %sub3A_216 = arith.subf %mul3A_214, %mul3A_215 : vector<16xf32>
      %swap3A_217 = arith.constant 32 : index
      %swap3A_218 = tpu.vector_load %arg25[%swap3A_217] {strides = array<i32>} : memref<128xf32, #tpu.memory_space<vmem>>, vector<16xf32>,
      %swap3A_219 = vector.shape_cast %swap3A_218 : vector<16xf32> to vector<16xf32>
      %swap3A_220 = vector.shape_cast %sub3A_216 : vector<16xf32> to vector<16xf32>
      tpu.vector_store %arg25[%swap3A_217], %swap3A_220 {strides = array<i32>} : memref<128xf32, #tpu.memory_space<vmem>>, vector<16xf32>,
      %mul3A_221 = arith.mulf %sub3A_201, %sub3A_205 : vector<16xf32>
      %mul3A_222 = arith.mulf %sub3A_202, %sub3A_204 : vector<16xf32>
      %sub3A_223 = arith.subf %mul3A_221, %mul3A_222 : vector<16xf32>
      %swap3A_224 = arith.constant 32 : index
      %swap3A_225 = tpu.vector_load %arg26[%swap3A_224] {strides = array<i32>} : memref<128xf32, #tpu.memory_space<vmem>>, vector<16xf32>,
      %swap3A_226 = vector.shape_cast %swap3A_225 : vector<16xf32> to vector<16xf32>
      %swap3A_227 = vector.shape_cast %sub3A_223 : vector<16xf32> to vector<16xf32>
      tpu.vector_store %arg26[%swap3A_224], %swap3A_227 {strides = array<i32>} : memref<128xf32, #tpu.memory_space<vmem>>, vector<16xf32>,
      %get3A_228 = arith.constant 48 : index
      %get3A_229 = tpu.vector_load %arg15[%get3A_228] {strides = array<i32>} : memref<128xf32, #tpu.memory_space<vmem>>, vector<16xf32>,
      %get3A_230 = vector.shape_cast %get3A_229 : vector<16xf32> to vector<16xf32>
      %get3A_231 = arith.constant 48 : index
      %get3A_232 = tpu.vector_load %arg16[%get3A_231] {strides = array<i32>} : memref<128xf32, #tpu.memory_space<vmem>>, vector<16xf32>,
      %get3A_233 = vector.shape_cast %get3A_232 : vector<16xf32> to vector<16xf32>
      %get3A_234 = arith.constant 48 : index
      %get3A_235 = tpu.vector_load %arg17[%get3A_234] {strides = array<i32>} : memref<128xf32, #tpu.memory_space<vmem>>, vector<16xf32>,
      %get3A_236 = vector.shape_cast %get3A_235 : vector<16xf32> to vector<16xf32>
      %get3A_237 = arith.constant 48 : index
      %get3A_238 = tpu.vector_load %arg18[%get3A_237] {strides = array<i32>} : memref<128xf32, #tpu.memory_space<vmem>>, vector<16xf32>,
      %get3A_239 = vector.shape_cast %get3A_238 : vector<16xf32> to vector<16xf32>
      %get3A_240 = arith.constant 48 : index
      %get3A_241 = tpu.vector_load %arg19[%get3A_240] {strides = array<i32>} : memref<128xf32, #tpu.memory_space<vmem>>, vector<16xf32>,
      %get3A_242 = vector.shape_cast %get3A_241 : vector<16xf32> to vector<16xf32>
      %get3A_243 = arith.constant 48 : index
      %get3A_244 = tpu.vector_load %arg20[%get3A_243] {strides = array<i32>} : memref<128xf32, #tpu.memory_space<vmem>>, vector<16xf32>,
      %get3A_245 = vector.shape_cast %get3A_244 : vector<16xf32> to vector<16xf32>
      %get3A_246 = arith.constant 48 : index
      %get3A_247 = tpu.vector_load %arg21[%get3A_246] {strides = array<i32>} : memref<128xf32, #tpu.memory_space<vmem>>, vector<16xf32>,
      %get3A_248 = vector.shape_cast %get3A_247 : vector<16xf32> to vector<16xf32>
      %get3A_249 = arith.constant 48 : index
      %get3A_250 = tpu.vector_load %arg22[%get3A_249] {strides = array<i32>} : memref<128xf32, #tpu.memory_space<vmem>>, vector<16xf32>,
      %get3A_251 = vector.shape_cast %get3A_250 : vector<16xf32> to vector<16xf32>
      %get3A_252 = arith.constant 48 : index
      %get3A_253 = tpu.vector_load %arg23[%get3A_252] {strides = array<i32>} : memref<128xf32, #tpu.memory_space<vmem>>, vector<16xf32>,
      %get3A_254 = vector.shape_cast %get3A_253 : vector<16xf32> to vector<16xf32>
      %sub3A_255 = arith.subf %get3A_239, %get3A_230 : vector<16xf32>
      %sub3A_256 = arith.subf %get3A_242, %get3A_233 : vector<16xf32>
      %sub3A_257 = arith.subf %get3A_245, %get3A_236 : vector<16xf32>
      %sub3A_258 = arith.subf %get3A_248, %get3A_230 : vector<16xf32>
      %sub3A_259 = arith.subf %get3A_251, %get3A_233 : vector<16xf32>
      %sub3A_260 = arith.subf %get3A_254, %get3A_236 : vector<16xf32>
      %mul3A_261 = arith.mulf %sub3A_256, %sub3A_260 : vector<16xf32>
      %mul3A_262 = arith.mulf %sub3A_257, %sub3A_259 : vector<16xf32>
      %sub3A_263 = arith.subf %mul3A_261, %mul3A_262 : vector<16xf32>
      %swap3A_264 = arith.constant 48 : index
      %swap3A_265 = tpu.vector_load %arg24[%swap3A_264] {strides = array<i32>} : memref<128xf32, #tpu.memory_space<vmem>>, vector<16xf32>,
      %swap3A_266 = vector.shape_cast %swap3A_265 : vector<16xf32> to vector<16xf32>
      %swap3A_267 = vector.shape_cast %sub3A_263 : vector<16xf32> to vector<16xf32>
      tpu.vector_store %arg24[%swap3A_264], %swap3A_267 {strides = array<i32>} : memref<128xf32, #tpu.memory_space<vmem>>, vector<16xf32>,
      %mul3A_268 = arith.mulf %sub3A_257, %sub3A_258 : vector<16xf32>
      %mul3A_269 = arith.mulf %sub3A_255, %sub3A_260 : vector<16xf32>
      %sub3A_270 = arith.subf %mul3A_268, %mul3A_269 : vector<16xf32>
      %swap3A_271 = arith.constant 48 : index
      %swap3A_272 = tpu.vector_load %arg25[%swap3A_271] {strides = array<i32>} : memref<128xf32, #tpu.memory_space<vmem>>, vector<16xf32>,
      %swap3A_273 = vector.shape_cast %swap3A_272 : vector<16xf32> to vector<16xf32>
      %swap3A_274 = vector.shape_cast %sub3A_270 : vector<16xf32> to vector<16xf32>
      tpu.vector_store %arg25[%swap3A_271], %swap3A_274 {strides = array<i32>} : memref<128xf32, #tpu.memory_space<vmem>>, vector<16xf32>,
      %mul3A_275 = arith.mulf %sub3A_255, %sub3A_259 : vector<16xf32>
      %mul3A_276 = arith.mulf %sub3A_256, %sub3A_258 : vector<16xf32>
      %sub3A_277 = arith.subf %mul3A_275, %mul3A_276 : vector<16xf32>
      %swap3A_278 = arith.constant 48 : index
      %swap3A_279 = tpu.vector_load %arg26[%swap3A_278] {strides = array<i32>} : memref<128xf32, #tpu.memory_space<vmem>>, vector<16xf32>,
      %swap3A_280 = vector.shape_cast %swap3A_279 : vector<16xf32> to vector<16xf32>
      %swap3A_281 = vector.shape_cast %sub3A_277 : vector<16xf32> to vector<16xf32>
      tpu.vector_store %arg26[%swap3A_278], %swap3A_281 {strides = array<i32>} : memref<128xf32, #tpu.memory_space<vmem>>, vector<16xf32>,
      %get3A_282 = arith.constant 64 : index
      %get3A_283 = tpu.vector_load %arg15[%get3A_282] {strides = array<i32>} : memref<128xf32, #tpu.memory_space<vmem>>, vector<16xf32>,
      %get3A_284 = vector.shape_cast %get3A_283 : vector<16xf32> to vector<16xf32>
      %get3A_285 = arith.constant 64 : index
      %get3A_286 = tpu.vector_load %arg16[%get3A_285] {strides = array<i32>} : memref<128xf32, #tpu.memory_space<vmem>>, vector<16xf32>,
      %get3A_287 = vector.shape_cast %get3A_286 : vector<16xf32> to vector<16xf32>
      %get3A_288 = arith.constant 64 : index
      %get3A_289 = tpu.vector_load %arg17[%get3A_288] {strides = array<i32>} : memref<128xf32, #tpu.memory_space<vmem>>, vector<16xf32>,
      %get3A_290 = vector.shape_cast %get3A_289 : vector<16xf32> to vector<16xf32>
      %get3A_291 = arith.constant 64 : index
      %get3A_292 = tpu.vector_load %arg18[%get3A_291] {strides = array<i32>} : memref<128xf32, #tpu.memory_space<vmem>>, vector<16xf32>,
      %get3A_293 = vector.shape_cast %get3A_292 : vector<16xf32> to vector<16xf32>
      %get3A_294 = arith.constant 64 : index
      %get3A_295 = tpu.vector_load %arg19[%get3A_294] {strides = array<i32>} : memref<128xf32, #tpu.memory_space<vmem>>, vector<16xf32>,
      %get3A_296 = vector.shape_cast %get3A_295 : vector<16xf32> to vector<16xf32>
      %get3A_297 = arith.constant 64 : index
      %get3A_298 = tpu.vector_load %arg20[%get3A_297] {strides = array<i32>} : memref<128xf32, #tpu.memory_space<vmem>>, vector<16xf32>,
      %get3A_299 = vector.shape_cast %get3A_298 : vector<16xf32> to vector<16xf32>
      %get3A_300 = arith.constant 64 : index
      %get3A_301 = tpu.vector_load %arg21[%get3A_300] {strides = array<i32>} : memref<128xf32, #tpu.memory_space<vmem>>, vector<16xf32>,
      %get3A_302 = vector.shape_cast %get3A_301 : vector<16xf32> to vector<16xf32>
      %get3A_303 = arith.constant 64 : index
      %get3A_304 = tpu.vector_load %arg22[%get3A_303] {strides = array<i32>} : memref<128xf32, #tpu.memory_space<vmem>>, vector<16xf32>,
      %get3A_305 = vector.shape_cast %get3A_304 : vector<16xf32> to vector<16xf32>
      %get3A_306 = arith.constant 64 : index
      %get3A_307 = tpu.vector_load %arg23[%get3A_306] {strides = array<i32>} : memref<128xf32, #tpu.memory_space<vmem>>, vector<16xf32>,
      %get3A_308 = vector.shape_cast %get3A_307 : vector<16xf32> to vector<16xf32>
      %sub3A_309 = arith.subf %get3A_293, %get3A_284 : vector<16xf32>
      %sub3A_310 = arith.subf %get3A_296, %get3A_287 : vector<16xf32>
      %sub3A_311 = arith.subf %get3A_299, %get3A_290 : vector<16xf32>
      %sub3A_312 = arith.subf %get3A_302, %get3A_284 : vector<16xf32>
      %sub3A_313 = arith.subf %get3A_305, %get3A_287 : vector<16xf32>
      %sub3A_314 = arith.subf %get3A_308, %get3A_290 : vector<16xf32>
      %mul3A_315 = arith.mulf %sub3A_310, %sub3A_314 : vector<16xf32>
      %mul3A_316 = arith.mulf %sub3A_311, %sub3A_313 : vector<16xf32>
      %sub3A_317 = arith.subf %mul3A_315, %mul3A_316 : vector<16xf32>
      %swap3A_318 = arith.constant 64 : index
      %swap3A_319 = tpu.vector_load %arg24[%swap3A_318] {strides = array<i32>} : memref<128xf32, #tpu.memory_space<vmem>>, vector<16xf32>,
      %swap3A_320 = vector.shape_cast %swap3A_319 : vector<16xf32> to vector<16xf32>
      %swap3A_321 = vector.shape_cast %sub3A_317 : vector<16xf32> to vector<16xf32>
      tpu.vector_store %arg24[%swap3A_318], %swap3A_321 {strides = array<i32>} : memref<128xf32, #tpu.memory_space<vmem>>, vector<16xf32>,
      %mul3A_322 = arith.mulf %sub3A_311, %sub3A_312 : vector<16xf32>
      %mul3A_323 = arith.mulf %sub3A_309, %sub3A_314 : vector<16xf32>
      %sub3A_324 = arith.subf %mul3A_322, %mul3A_323 : vector<16xf32>
      %swap3A_325 = arith.constant 64 : index
      %swap3A_326 = tpu.vector_load %arg25[%swap3A_325] {strides = array<i32>} : memref<128xf32, #tpu.memory_space<vmem>>, vector<16xf32>,
      %swap3A_327 = vector.shape_cast %swap3A_326 : vector<16xf32> to vector<16xf32>
      %swap3A_328 = vector.shape_cast %sub3A_324 : vector<16xf32> to vector<16xf32>
      tpu.vector_store %arg25[%swap3A_325], %swap3A_328 {strides = array<i32>} : memref<128xf32, #tpu.memory_space<vmem>>, vector<16xf32>,
      %mul3A_329 = arith.mulf %sub3A_309, %sub3A_313 : vector<16xf32>
      %mul3A_330 = arith.mulf %sub3A_310, %sub3A_312 : vector<16xf32>
      %sub3A_331 = arith.subf %mul3A_329, %mul3A_330 : vector<16xf32>
      %swap3A_332 = arith.constant 64 : index
      %swap3A_333 = tpu.vector_load %arg26[%swap3A_332] {strides = array<i32>} : memref<128xf32, #tpu.memory_space<vmem>>, vector<16xf32>,
      %swap3A_334 = vector.shape_cast %swap3A_333 : vector<16xf32> to vector<16xf32>
      %swap3A_335 = vector.shape_cast %sub3A_331 : vector<16xf32> to vector<16xf32>
      tpu.vector_store %arg26[%swap3A_332], %swap3A_335 {strides = array<i32>} : memref<128xf32, #tpu.memory_space<vmem>>, vector<16xf32>,
      %get3A_336 = arith.constant 80 : index
      %get3A_337 = tpu.vector_load %arg15[%get3A_336] {strides = array<i32>} : memref<128xf32, #tpu.memory_space<vmem>>, vector<16xf32>,
      %get3A_338 = vector.shape_cast %get3A_337 : vector<16xf32> to vector<16xf32>
      %get3A_339 = arith.constant 80 : index
      %get3A_340 = tpu.vector_load %arg16[%get3A_339] {strides = array<i32>} : memref<128xf32, #tpu.memory_space<vmem>>, vector<16xf32>,
      %get3A_341 = vector.shape_cast %get3A_340 : vector<16xf32> to vector<16xf32>
      %get3A_342 = arith.constant 80 : index
      %get3A_343 = tpu.vector_load %arg17[%get3A_342] {strides = array<i32>} : memref<128xf32, #tpu.memory_space<vmem>>, vector<16xf32>,
      %get3A_344 = vector.shape_cast %get3A_343 : vector<16xf32> to vector<16xf32>
      %get3A_345 = arith.constant 80 : index
      %get3A_346 = tpu.vector_load %arg18[%get3A_345] {strides = array<i32>} : memref<128xf32, #tpu.memory_space<vmem>>, vector<16xf32>,
      %get3A_347 = vector.shape_cast %get3A_346 : vector<16xf32> to vector<16xf32>
      %get3A_348 = arith.constant 80 : index
      %get3A_349 = tpu.vector_load %arg19[%get3A_348] {strides = array<i32>} : memref<128xf32, #tpu.memory_space<vmem>>, vector<16xf32>,
      %get3A_350 = vector.shape_cast %get3A_349 : vector<16xf32> to vector<16xf32>
      %get3A_351 = arith.constant 80 : index
      %get3A_352 = tpu.vector_load %arg20[%get3A_351] {strides = array<i32>} : memref<128xf32, #tpu.memory_space<vmem>>, vector<16xf32>,
      %get3A_353 = vector.shape_cast %get3A_352 : vector<16xf32> to vector<16xf32>
      %get3A_354 = arith.constant 80 : index
      %get3A_355 = tpu.vector_load %arg21[%get3A_354] {strides = array<i32>} : memref<128xf32, #tpu.memory_space<vmem>>, vector<16xf32>,
      %get3A_356 = vector.shape_cast %get3A_355 : vector<16xf32> to vector<16xf32>
      %get3A_357 = arith.constant 80 : index
      %get3A_358 = tpu.vector_load %arg22[%get3A_357] {strides = array<i32>} : memref<128xf32, #tpu.memory_space<vmem>>, vector<16xf32>,
      %get3A_359 = vector.shape_cast %get3A_358 : vector<16xf32> to vector<16xf32>
      %get3A_360 = arith.constant 80 : index
      %get3A_361 = tpu.vector_load %arg23[%get3A_360] {strides = array<i32>} : memref<128xf32, #tpu.memory_space<vmem>>, vector<16xf32>,
      %get3A_362 = vector.shape_cast %get3A_361 : vector<16xf32> to vector<16xf32>
      %sub3A_363 = arith.subf %get3A_347, %get3A_338 : vector<16xf32>
      %sub3A_364 = arith.subf %get3A_350, %get3A_341 : vector<16xf32>
      %sub3A_365 = arith.subf %get3A_353, %get3A_344 : vector<16xf32>
      %sub3A_366 = arith.subf %get3A_356, %get3A_338 : vector<16xf32>
      %sub3A_367 = arith.subf %get3A_359, %get3A_341 : vector<16xf32>
      %sub3A_368 = arith.subf %get3A_362, %get3A_344 : vector<16xf32>
      %mul3A_369 = arith.mulf %sub3A_364, %sub3A_368 : vector<16xf32>
      %mul3A_370 = arith.mulf %sub3A_365, %sub3A_367 : vector<16xf32>
      %sub3A_371 = arith.subf %mul3A_369, %mul3A_370 : vector<16xf32>
      %swap3A_372 = arith.constant 80 : index
      %swap3A_373 = tpu.vector_load %arg24[%swap3A_372] {strides = array<i32>} : memref<128xf32, #tpu.memory_space<vmem>>, vector<16xf32>,
      %swap3A_374 = vector.shape_cast %swap3A_373 : vector<16xf32> to vector<16xf32>
      %swap3A_375 = vector.shape_cast %sub3A_371 : vector<16xf32> to vector<16xf32>
      tpu.vector_store %arg24[%swap3A_372], %swap3A_375 {strides = array<i32>} : memref<128xf32, #tpu.memory_space<vmem>>, vector<16xf32>,
      %mul3A_376 = arith.mulf %sub3A_365, %sub3A_366 : vector<16xf32>
      %mul3A_377 = arith.mulf %sub3A_363, %sub3A_368 : vector<16xf32>
      %sub3A_378 = arith.subf %mul3A_376, %mul3A_377 : vector<16xf32>
      %swap3A_379 = arith.constant 80 : index
      %swap3A_380 = tpu.vector_load %arg25[%swap3A_379] {strides = array<i32>} : memref<128xf32, #tpu.memory_space<vmem>>, vector<16xf32>,
      %swap3A_381 = vector.shape_cast %swap3A_380 : vector<16xf32> to vector<16xf32>
      %swap3A_382 = vector.shape_cast %sub3A_378 : vector<16xf32> to vector<16xf32>
      tpu.vector_store %arg25[%swap3A_379], %swap3A_382 {strides = array<i32>} : memref<128xf32, #tpu.memory_space<vmem>>, vector<16xf32>,
      %mul3A_383 = arith.mulf %sub3A_363, %sub3A_367 : vector<16xf32>
      %mul3A_384 = arith.mulf %sub3A_364, %sub3A_366 : vector<16xf32>
      %sub3A_385 = arith.subf %mul3A_383, %mul3A_384 : vector<16xf32>
      %swap3A_386 = arith.constant 80 : index
      %swap3A_387 = tpu.vector_load %arg26[%swap3A_386] {strides = array<i32>} : memref<128xf32, #tpu.memory_space<vmem>>, vector<16xf32>,
      %swap3A_388 = vector.shape_cast %swap3A_387 : vector<16xf32> to vector<16xf32>
      %swap3A_389 = vector.shape_cast %sub3A_385 : vector<16xf32> to vector<16xf32>
      tpu.vector_store %arg26[%swap3A_386], %swap3A_389 {strides = array<i32>} : memref<128xf32, #tpu.memory_space<vmem>>, vector<16xf32>,
      %get3A_390 = arith.constant 96 : index
      %get3A_391 = tpu.vector_load %arg15[%get3A_390] {strides = array<i32>} : memref<128xf32, #tpu.memory_space<vmem>>, vector<16xf32>,
      %get3A_392 = vector.shape_cast %get3A_391 : vector<16xf32> to vector<16xf32>
      %get3A_393 = arith.constant 96 : index
      %get3A_394 = tpu.vector_load %arg16[%get3A_393] {strides = array<i32>} : memref<128xf32, #tpu.memory_space<vmem>>, vector<16xf32>,
      %get3A_395 = vector.shape_cast %get3A_394 : vector<16xf32> to vector<16xf32>
      %get3A_396 = arith.constant 96 : index
      %get3A_397 = tpu.vector_load %arg17[%get3A_396] {strides = array<i32>} : memref<128xf32, #tpu.memory_space<vmem>>, vector<16xf32>,
      %get3A_398 = vector.shape_cast %get3A_397 : vector<16xf32> to vector<16xf32>
      %get3A_399 = arith.constant 96 : index
      %get3A_400 = tpu.vector_load %arg18[%get3A_399] {strides = array<i32>} : memref<128xf32, #tpu.memory_space<vmem>>, vector<16xf32>,
      %get3A_401 = vector.shape_cast %get3A_400 : vector<16xf32> to vector<16xf32>
      %get3A_402 = arith.constant 96 : index
      %get3A_403 = tpu.vector_load %arg19[%get3A_402] {strides = array<i32>} : memref<128xf32, #tpu.memory_space<vmem>>, vector<16xf32>,
      %get3A_404 = vector.shape_cast %get3A_403 : vector<16xf32> to vector<16xf32>
      %get3A_405 = arith.constant 96 : index
      %get3A_406 = tpu.vector_load %arg20[%get3A_405] {strides = array<i32>} : memref<128xf32, #tpu.memory_space<vmem>>, vector<16xf32>,
      %get3A_407 = vector.shape_cast %get3A_406 : vector<16xf32> to vector<16xf32>
      %get3A_408 = arith.constant 96 : index
      %get3A_409 = tpu.vector_load %arg21[%get3A_408] {strides = array<i32>} : memref<128xf32, #tpu.memory_space<vmem>>, vector<16xf32>,
      %get3A_410 = vector.shape_cast %get3A_409 : vector<16xf32> to vector<16xf32>
      %get3A_411 = arith.constant 96 : index
      %get3A_412 = tpu.vector_load %arg22[%get3A_411] {strides = array<i32>} : memref<128xf32, #tpu.memory_space<vmem>>, vector<16xf32>,
      %get3A_413 = vector.shape_cast %get3A_412 : vector<16xf32> to vector<16xf32>
      %get3A_414 = arith.constant 96 : index
      %get3A_415 = tpu.vector_load %arg23[%get3A_414] {strides = array<i32>} : memref<128xf32, #tpu.memory_space<vmem>>, vector<16xf32>,
      %get3A_416 = vector.shape_cast %get3A_415 : vector<16xf32> to vector<16xf32>
      %sub3A_417 = arith.subf %get3A_401, %get3A_392 : vector<16xf32>
      %sub3A_418 = arith.subf %get3A_404, %get3A_395 : vector<16xf32>
      %sub3A_419 = arith.subf %get3A_407, %get3A_398 : vector<16xf32>
      %sub3A_420 = arith.subf %get3A_410, %get3A_392 : vector<16xf32>
      %sub3A_421 = arith.subf %get3A_413, %get3A_395 : vector<16xf32>
      %sub3A_422 = arith.subf %get3A_416, %get3A_398 : vector<16xf32>
      %mul3A_423 = arith.mulf %sub3A_418, %sub3A_422 : vector<16xf32>
      %mul3A_424 = arith.mulf %sub3A_419, %sub3A_421 : vector<16xf32>
      %sub3A_425 = arith.subf %mul3A_423, %mul3A_424 : vector<16xf32>
      %swap3A_426 = arith.constant 96 : index
      %swap3A_427 = tpu.vector_load %arg24[%swap3A_426] {strides = array<i32>} : memref<128xf32, #tpu.memory_space<vmem>>, vector<16xf32>,
      %swap3A_428 = vector.shape_cast %swap3A_427 : vector<16xf32> to vector<16xf32>
      %swap3A_429 = vector.shape_cast %sub3A_425 : vector<16xf32> to vector<16xf32>
      tpu.vector_store %arg24[%swap3A_426], %swap3A_429 {strides = array<i32>} : memref<128xf32, #tpu.memory_space<vmem>>, vector<16xf32>,
      %mul3A_430 = arith.mulf %sub3A_419, %sub3A_420 : vector<16xf32>
      %mul3A_431 = arith.mulf %sub3A_417, %sub3A_422 : vector<16xf32>
      %sub3A_432 = arith.subf %mul3A_430, %mul3A_431 : vector<16xf32>
      %swap3A_433 = arith.constant 96 : index
      %swap3A_434 = tpu.vector_load %arg25[%swap3A_433] {strides = array<i32>} : memref<128xf32, #tpu.memory_space<vmem>>, vector<16xf32>,
      %swap3A_435 = vector.shape_cast %swap3A_434 : vector<16xf32> to vector<16xf32>
      %swap3A_436 = vector.shape_cast %sub3A_432 : vector<16xf32> to vector<16xf32>
      tpu.vector_store %arg25[%swap3A_433], %swap3A_436 {strides = array<i32>} : memref<128xf32, #tpu.memory_space<vmem>>, vector<16xf32>,
      %mul3A_437 = arith.mulf %sub3A_417, %sub3A_421 : vector<16xf32>
      %mul3A_438 = arith.mulf %sub3A_418, %sub3A_420 : vector<16xf32>
      %sub3A_439 = arith.subf %mul3A_437, %mul3A_438 : vector<16xf32>
      %swap3A_440 = arith.constant 96 : index
      %swap3A_441 = tpu.vector_load %arg26[%swap3A_440] {strides = array<i32>} : memref<128xf32, #tpu.memory_space<vmem>>, vector<16xf32>,
      %swap3A_442 = vector.shape_cast %swap3A_441 : vector<16xf32> to vector<16xf32>
      %swap3A_443 = vector.shape_cast %sub3A_439 : vector<16xf32> to vector<16xf32>
      tpu.vector_store %arg26[%swap3A_440], %swap3A_443 {strides = array<i32>} : memref<128xf32, #tpu.memory_space<vmem>>, vector<16xf32>,
      %get3A_444 = arith.constant 112 : index
      %get3A_445 = tpu.vector_load %arg15[%get3A_444] {strides = array<i32>} : memref<128xf32, #tpu.memory_space<vmem>>, vector<16xf32>,
      %get3A_446 = vector.shape_cast %get3A_445 : vector<16xf32> to vector<16xf32>
      %get3A_447 = arith.constant 112 : index
      %get3A_448 = tpu.vector_load %arg16[%get3A_447] {strides = array<i32>} : memref<128xf32, #tpu.memory_space<vmem>>, vector<16xf32>,
      %get3A_449 = vector.shape_cast %get3A_448 : vector<16xf32> to vector<16xf32>
      %get3A_450 = arith.constant 112 : index
      %get3A_451 = tpu.vector_load %arg17[%get3A_450] {strides = array<i32>} : memref<128xf32, #tpu.memory_space<vmem>>, vector<16xf32>,
      %get3A_452 = vector.shape_cast %get3A_451 : vector<16xf32> to vector<16xf32>
      %get3A_453 = arith.constant 112 : index
      %get3A_454 = tpu.vector_load %arg18[%get3A_453] {strides = array<i32>} : memref<128xf32, #tpu.memory_space<vmem>>, vector<16xf32>,
      %get3A_455 = vector.shape_cast %get3A_454 : vector<16xf32> to vector<16xf32>
      %get3A_456 = arith.constant 112 : index
      %get3A_457 = tpu.vector_load %arg19[%get3A_456] {strides = array<i32>} : memref<128xf32, #tpu.memory_space<vmem>>, vector<16xf32>,
      %get3A_458 = vector.shape_cast %get3A_457 : vector<16xf32> to vector<16xf32>
      %get3A_459 = arith.constant 112 : index
      %get3A_460 = tpu.vector_load %arg20[%get3A_459] {strides = array<i32>} : memref<128xf32, #tpu.memory_space<vmem>>, vector<16xf32>,
      %get3A_461 = vector.shape_cast %get3A_460 : vector<16xf32> to vector<16xf32>
      %get3A_462 = arith.constant 112 : index
      %get3A_463 = tpu.vector_load %arg21[%get3A_462] {strides = array<i32>} : memref<128xf32, #tpu.memory_space<vmem>>, vector<16xf32>,
      %get3A_464 = vector.shape_cast %get3A_463 : vector<16xf32> to vector<16xf32>
      %get3A_465 = arith.constant 112 : index
      %get3A_466 = tpu.vector_load %arg22[%get3A_465] {strides = array<i32>} : memref<128xf32, #tpu.memory_space<vmem>>, vector<16xf32>,
      %get3A_467 = vector.shape_cast %get3A_466 : vector<16xf32> to vector<16xf32>
      %get3A_468 = arith.constant 112 : index
      %get3A_469 = tpu.vector_load %arg23[%get3A_468] {strides = array<i32>} : memref<128xf32, #tpu.memory_space<vmem>>, vector<16xf32>,
      %get3A_470 = vector.shape_cast %get3A_469 : vector<16xf32> to vector<16xf32>
      %sub3A_471 = arith.subf %get3A_455, %get3A_446 : vector<16xf32>
      %sub3A_472 = arith.subf %get3A_458, %get3A_449 : vector<16xf32>
      %sub3A_473 = arith.subf %get3A_461, %get3A_452 : vector<16xf32>
      %sub3A_474 = arith.subf %get3A_464, %get3A_446 : vector<16xf32>
      %sub3A_475 = arith.subf %get3A_467, %get3A_449 : vector<16xf32>
      %sub3A_476 = arith.subf %get3A_470, %get3A_452 : vector<16xf32>
      %mul3A_477 = arith.mulf %sub3A_472, %sub3A_476 : vector<16xf32>
      %mul3A_478 = arith.mulf %sub3A_473, %sub3A_475 : vector<16xf32>
      %sub3A_479 = arith.subf %mul3A_477, %mul3A_478 : vector<16xf32>
      %swap3A_480 = arith.constant 112 : index
      %swap3A_481 = tpu.vector_load %arg24[%swap3A_480] {strides = array<i32>} : memref<128xf32, #tpu.memory_space<vmem>>, vector<16xf32>,
      %swap3A_482 = vector.shape_cast %swap3A_481 : vector<16xf32> to vector<16xf32>
      %swap3A_483 = vector.shape_cast %sub3A_479 : vector<16xf32> to vector<16xf32>
      tpu.vector_store %arg24[%swap3A_480], %swap3A_483 {strides = array<i32>} : memref<128xf32, #tpu.memory_space<vmem>>, vector<16xf32>,
      %mul3A_484 = arith.mulf %sub3A_473, %sub3A_474 : vector<16xf32>
      %mul3A_485 = arith.mulf %sub3A_471, %sub3A_476 : vector<16xf32>
      %sub3A_486 = arith.subf %mul3A_484, %mul3A_485 : vector<16xf32>
      %swap3A_487 = arith.constant 112 : index
      %swap3A_488 = tpu.vector_load %arg25[%swap3A_487] {strides = array<i32>} : memref<128xf32, #tpu.memory_space<vmem>>, vector<16xf32>,
      %swap3A_489 = vector.shape_cast %swap3A_488 : vector<16xf32> to vector<16xf32>
      %swap3A_490 = vector.shape_cast %sub3A_486 : vector<16xf32> to vector<16xf32>
      tpu.vector_store %arg25[%swap3A_487], %swap3A_490 {strides = array<i32>} : memref<128xf32, #tpu.memory_space<vmem>>, vector<16xf32>,
      %mul3A_491 = arith.mulf %sub3A_471, %sub3A_475 : vector<16xf32>
      %mul3A_492 = arith.mulf %sub3A_472, %sub3A_474 : vector<16xf32>
      %sub3A_493 = arith.subf %mul3A_491, %mul3A_492 : vector<16xf32>
      %swap3A_494 = arith.constant 112 : index
      %swap3A_495 = tpu.vector_load %arg26[%swap3A_494] {strides = array<i32>} : memref<128xf32, #tpu.memory_space<vmem>>, vector<16xf32>,
      %swap3A_496 = vector.shape_cast %swap3A_495 : vector<16xf32> to vector<16xf32>
      %swap3A_497 = vector.shape_cast %sub3A_493 : vector<16xf32> to vector<16xf32>
      tpu.vector_store %arg26[%swap3A_494], %swap3A_497 {strides = array<i32>} : memref<128xf32, #tpu.memory_space<vmem>>, vector<16xf32>,
      "tpu.region"() ({
        %run_scoped3A = tpu.sem_alloc : memref<!tpu.dma_semaphore, #tpu.memory_space<semaphore_mem>>
        %dma_start3A = arith.constant 0 : i32
        %dma_start3A_498 = tpu.memref_slice %arg9[%dma_start3A] : memref<102400xf32, #tpu.memory_space<vmem_shared>> -> memref<102400xf32, #tpu.memory_space<vmem_shared>>
        tpu.enqueue_indirect_dma source(%arg24 : memref<128xf32, #tpu.memory_space<vmem>>) target(%dma_start3A_498 : memref<102400xf32, #tpu.memory_space<vmem_shared>>) offsets(%arg12 : memref<128xi32, #tpu.memory_space<vmem>>) semaphore(%run_scoped3A : memref<!tpu.dma_semaphore, #tpu.memory_space<semaphore_mem>>) {add = true}
        %dma_wait3A = arith.constant 0 : i32
        %dma_wait3A_499 = tpu.memref_slice %arg9[%dma_wait3A] : memref<102400xf32, #tpu.memory_space<vmem_shared>> -> memref<102400xf32, #tpu.memory_space<vmem_shared>>
        tpu.wait_indirect_dma semaphore(%run_scoped3A : memref<!tpu.dma_semaphore, #tpu.memory_space<semaphore_mem>>) src(%arg24 : memref<128xf32, #tpu.memory_space<vmem>>) dst(%dma_wait3A_499 : memref<102400xf32, #tpu.memory_space<vmem_shared>>)
        tpu.yield
      }) : () -> ()
      "tpu.region"() ({
        %run_scoped3A = tpu.sem_alloc : memref<!tpu.dma_semaphore, #tpu.memory_space<semaphore_mem>>
        %dma_start3A = arith.constant 0 : i32
        %dma_start3A_498 = tpu.memref_slice %arg10[%dma_start3A] : memref<102400xf32, #tpu.memory_space<vmem_shared>> -> memref<102400xf32, #tpu.memory_space<vmem_shared>>
        tpu.enqueue_indirect_dma source(%arg25 : memref<128xf32, #tpu.memory_space<vmem>>) target(%dma_start3A_498 : memref<102400xf32, #tpu.memory_space<vmem_shared>>) offsets(%arg12 : memref<128xi32, #tpu.memory_space<vmem>>) semaphore(%run_scoped3A : memref<!tpu.dma_semaphore, #tpu.memory_space<semaphore_mem>>) {add = true}
        %dma_wait3A = arith.constant 0 : i32
        %dma_wait3A_499 = tpu.memref_slice %arg10[%dma_wait3A] : memref<102400xf32, #tpu.memory_space<vmem_shared>> -> memref<102400xf32, #tpu.memory_space<vmem_shared>>
        tpu.wait_indirect_dma semaphore(%run_scoped3A : memref<!tpu.dma_semaphore, #tpu.memory_space<semaphore_mem>>) src(%arg25 : memref<128xf32, #tpu.memory_space<vmem>>) dst(%dma_wait3A_499 : memref<102400xf32, #tpu.memory_space<vmem_shared>>)
        tpu.yield
      }) : () -> ()
      "tpu.region"() ({
        %run_scoped3A = tpu.sem_alloc : memref<!tpu.dma_semaphore, #tpu.memory_space<semaphore_mem>>
        %dma_start3A = arith.constant 0 : i32
        %dma_start3A_498 = tpu.memref_slice %arg11[%dma_start3A] : memref<102400xf32, #tpu.memory_space<vmem_shared>> -> memref<102400xf32, #tpu.memory_space<vmem_shared>>
        tpu.enqueue_indirect_dma source(%arg26 : memref<128xf32, #tpu.memory_space<vmem>>) target(%dma_start3A_498 : memref<102400xf32, #tpu.memory_space<vmem_shared>>) offsets(%arg12 : memref<128xi32, #tpu.memory_space<vmem>>) semaphore(%run_scoped3A : memref<!tpu.dma_semaphore, #tpu.memory_space<semaphore_mem>>) {add = true}
        %dma_wait3A = arith.constant 0 : i32
        %dma_wait3A_499 = tpu.memref_slice %arg11[%dma_wait3A] : memref<102400xf32, #tpu.memory_space<vmem_shared>> -> memref<102400xf32, #tpu.memory_space<vmem_shared>>
        tpu.wait_indirect_dma semaphore(%run_scoped3A : memref<!tpu.dma_semaphore, #tpu.memory_space<semaphore_mem>>) src(%arg26 : memref<128xf32, #tpu.memory_space<vmem>>) dst(%dma_wait3A_499 : memref<102400xf32, #tpu.memory_space<vmem_shared>>)
        tpu.yield
      }) : () -> ()
      "tpu.region"() ({
        %run_scoped3A = tpu.sem_alloc : memref<!tpu.dma_semaphore, #tpu.memory_space<semaphore_mem>>
        %dma_start3A = arith.constant 0 : i32
        %dma_start3A_498 = tpu.memref_slice %arg9[%dma_start3A] : memref<102400xf32, #tpu.memory_space<vmem_shared>> -> memref<102400xf32, #tpu.memory_space<vmem_shared>>
        tpu.enqueue_indirect_dma source(%arg24 : memref<128xf32, #tpu.memory_space<vmem>>) target(%dma_start3A_498 : memref<102400xf32, #tpu.memory_space<vmem_shared>>) offsets(%arg13 : memref<128xi32, #tpu.memory_space<vmem>>) semaphore(%run_scoped3A : memref<!tpu.dma_semaphore, #tpu.memory_space<semaphore_mem>>) {add = true}
        %dma_wait3A = arith.constant 0 : i32
        %dma_wait3A_499 = tpu.memref_slice %arg9[%dma_wait3A] : memref<102400xf32, #tpu.memory_space<vmem_shared>> -> memref<102400xf32, #tpu.memory_space<vmem_shared>>
        tpu.wait_indirect_dma semaphore(%run_scoped3A : memref<!tpu.dma_semaphore, #tpu.memory_space<semaphore_mem>>) src(%arg24 : memref<128xf32, #tpu.memory_space<vmem>>) dst(%dma_wait3A_499 : memref<102400xf32, #tpu.memory_space<vmem_shared>>)
        tpu.yield
      }) : () -> ()
      "tpu.region"() ({
        %run_scoped3A = tpu.sem_alloc : memref<!tpu.dma_semaphore, #tpu.memory_space<semaphore_mem>>
        %dma_start3A = arith.constant 0 : i32
        %dma_start3A_498 = tpu.memref_slice %arg10[%dma_start3A] : memref<102400xf32, #tpu.memory_space<vmem_shared>> -> memref<102400xf32, #tpu.memory_space<vmem_shared>>
        tpu.enqueue_indirect_dma source(%arg25 : memref<128xf32, #tpu.memory_space<vmem>>) target(%dma_start3A_498 : memref<102400xf32, #tpu.memory_space<vmem_shared>>) offsets(%arg13 : memref<128xi32, #tpu.memory_space<vmem>>) semaphore(%run_scoped3A : memref<!tpu.dma_semaphore, #tpu.memory_space<semaphore_mem>>) {add = true}
        %dma_wait3A = arith.constant 0 : i32
        %dma_wait3A_499 = tpu.memref_slice %arg10[%dma_wait3A] : memref<102400xf32, #tpu.memory_space<vmem_shared>> -> memref<102400xf32, #tpu.memory_space<vmem_shared>>
        tpu.wait_indirect_dma semaphore(%run_scoped3A : memref<!tpu.dma_semaphore, #tpu.memory_space<semaphore_mem>>) src(%arg25 : memref<128xf32, #tpu.memory_space<vmem>>) dst(%dma_wait3A_499 : memref<102400xf32, #tpu.memory_space<vmem_shared>>)
        tpu.yield
      }) : () -> ()
      "tpu.region"() ({
        %run_scoped3A = tpu.sem_alloc : memref<!tpu.dma_semaphore, #tpu.memory_space<semaphore_mem>>
        %dma_start3A = arith.constant 0 : i32
        %dma_start3A_498 = tpu.memref_slice %arg11[%dma_start3A] : memref<102400xf32, #tpu.memory_space<vmem_shared>> -> memref<102400xf32, #tpu.memory_space<vmem_shared>>
        tpu.enqueue_indirect_dma source(%arg26 : memref<128xf32, #tpu.memory_space<vmem>>) target(%dma_start3A_498 : memref<102400xf32, #tpu.memory_space<vmem_shared>>) offsets(%arg13 : memref<128xi32, #tpu.memory_space<vmem>>) semaphore(%run_scoped3A : memref<!tpu.dma_semaphore, #tpu.memory_space<semaphore_mem>>) {add = true}
        %dma_wait3A = arith.constant 0 : i32
        %dma_wait3A_499 = tpu.memref_slice %arg11[%dma_wait3A] : memref<102400xf32, #tpu.memory_space<vmem_shared>> -> memref<102400xf32, #tpu.memory_space<vmem_shared>>
        tpu.wait_indirect_dma semaphore(%run_scoped3A : memref<!tpu.dma_semaphore, #tpu.memory_space<semaphore_mem>>) src(%arg26 : memref<128xf32, #tpu.memory_space<vmem>>) dst(%dma_wait3A_499 : memref<102400xf32, #tpu.memory_space<vmem_shared>>)
        tpu.yield
      }) : () -> ()
      "tpu.region"() ({
        %run_scoped3A = tpu.sem_alloc : memref<!tpu.dma_semaphore, #tpu.memory_space<semaphore_mem>>
        %dma_start3A = arith.constant 0 : i32
        %dma_start3A_498 = tpu.memref_slice %arg9[%dma_start3A] : memref<102400xf32, #tpu.memory_space<vmem_shared>> -> memref<102400xf32, #tpu.memory_space<vmem_shared>>
        tpu.enqueue_indirect_dma source(%arg24 : memref<128xf32, #tpu.memory_space<vmem>>) target(%dma_start3A_498 : memref<102400xf32, #tpu.memory_space<vmem_shared>>) offsets(%arg14 : memref<128xi32, #tpu.memory_space<vmem>>) semaphore(%run_scoped3A : memref<!tpu.dma_semaphore, #tpu.memory_space<semaphore_mem>>) {add = true}
        %dma_wait3A = arith.constant 0 : i32
        %dma_wait3A_499 = tpu.memref_slice %arg9[%dma_wait3A] : memref<102400xf32, #tpu.memory_space<vmem_shared>> -> memref<102400xf32, #tpu.memory_space<vmem_shared>>
        tpu.wait_indirect_dma semaphore(%run_scoped3A : memref<!tpu.dma_semaphore, #tpu.memory_space<semaphore_mem>>) src(%arg24 : memref<128xf32, #tpu.memory_space<vmem>>) dst(%dma_wait3A_499 : memref<102400xf32, #tpu.memory_space<vmem_shared>>)
        tpu.yield
      }) : () -> ()
      "tpu.region"() ({
        %run_scoped3A = tpu.sem_alloc : memref<!tpu.dma_semaphore, #tpu.memory_space<semaphore_mem>>
        %dma_start3A = arith.constant 0 : i32
        %dma_start3A_498 = tpu.memref_slice %arg10[%dma_start3A] : memref<102400xf32, #tpu.memory_space<vmem_shared>> -> memref<102400xf32, #tpu.memory_space<vmem_shared>>
        tpu.enqueue_indirect_dma source(%arg25 : memref<128xf32, #tpu.memory_space<vmem>>) target(%dma_start3A_498 : memref<102400xf32, #tpu.memory_space<vmem_shared>>) offsets(%arg14 : memref<128xi32, #tpu.memory_space<vmem>>) semaphore(%run_scoped3A : memref<!tpu.dma_semaphore, #tpu.memory_space<semaphore_mem>>) {add = true}
        %dma_wait3A = arith.constant 0 : i32
        %dma_wait3A_499 = tpu.memref_slice %arg10[%dma_wait3A] : memref<102400xf32, #tpu.memory_space<vmem_shared>> -> memref<102400xf32, #tpu.memory_space<vmem_shared>>
        tpu.wait_indirect_dma semaphore(%run_scoped3A : memref<!tpu.dma_semaphore, #tpu.memory_space<semaphore_mem>>) src(%arg25 : memref<128xf32, #tpu.memory_space<vmem>>) dst(%dma_wait3A_499 : memref<102400xf32, #tpu.memory_space<vmem_shared>>)
        tpu.yield
      }) : () -> ()
      "tpu.region"() ({
        %run_scoped3A = tpu.sem_alloc : memref<!tpu.dma_semaphore, #tpu.memory_space<semaphore_mem>>
        %dma_start3A = arith.constant 0 : i32
        %dma_start3A_498 = tpu.memref_slice %arg11[%dma_start3A] : memref<102400xf32, #tpu.memory_space<vmem_shared>> -> memref<102400xf32, #tpu.memory_space<vmem_shared>>
        tpu.enqueue_indirect_dma source(%arg26 : memref<128xf32, #tpu.memory_space<vmem>>) target(%dma_start3A_498 : memref<102400xf32, #tpu.memory_space<vmem_shared>>) offsets(%arg14 : memref<128xi32, #tpu.memory_space<vmem>>) semaphore(%run_scoped3A : memref<!tpu.dma_semaphore, #tpu.memory_space<semaphore_mem>>) {add = true}
        %dma_wait3A = arith.constant 0 : i32
        %dma_wait3A_499 = tpu.memref_slice %arg11[%dma_wait3A] : memref<102400xf32, #tpu.memory_space<vmem_shared>> -> memref<102400xf32, #tpu.memory_space<vmem_shared>>
        tpu.wait_indirect_dma semaphore(%run_scoped3A : memref<!tpu.dma_semaphore, #tpu.memory_space<semaphore_mem>>) src(%arg26 : memref<128xf32, #tpu.memory_space<vmem>>) dst(%dma_wait3A_499 : memref<102400xf32, #tpu.memory_space<vmem_shared>>)
        tpu.yield
      }) : () -> ()
    }
    %scan3A_24 = arith.constant 50 : i32
    %barrier3A_25 = arith.constant 0 : index
    tpu.barrier barrier_id(%barrier3A_25)
    %mul3A_26 = arith.constant 3 : i32
    %mul3A_27 = arith.muli %arg0, %mul3A_26 : i32
    %add3A_28 = arith.constant 0 : i32
    %add3A_29 = arith.addi %mul3A_27, %add3A_28 : i32
    %mul3A_30 = arith.constant 102400 : i32
    %mul3A_31 = arith.muli %add3A_29, %mul3A_30 : i32
    %mul3A_32 = arith.constant 6400 : i32
    %mul3A_33 = arith.muli %arg1, %mul3A_32 : i32
    %add3A_34 = arith.addi %mul3A_31, %mul3A_33 : i32
    "tpu.region"() ({
      %run_scoped3A = tpu.sem_alloc : memref<!tpu.dma_semaphore, #tpu.memory_space<semaphore_mem>>
      %dma_start3A = tpu.memref_slice %arg5[%add3A_34] : memref<614400xf32, #tpu.memory_space<hbm>> -> memref<6400xf32, #tpu.memory_space<hbm>>
      %dma_start3A_53 = tpu.memref_slice %arg9[%mul3A_2] : memref<102400xf32, #tpu.memory_space<vmem_shared>> -> memref<6400xf32, #tpu.memory_space<vmem_shared>>
      tpu.enqueue_dma source(%dma_start3A_53 : memref<6400xf32, #tpu.memory_space<vmem_shared>>) target(%dma_start3A : memref<6400xf32, #tpu.memory_space<hbm>>) target_semaphore(%run_scoped3A : memref<!tpu.dma_semaphore, #tpu.memory_space<semaphore_mem>>)
      %dma_wait3A = tpu.memref_slice %arg5[%add3A_34] : memref<614400xf32, #tpu.memory_space<hbm>> -> memref<6400xf32, #tpu.memory_space<hbm>>
      %dma_wait3A_54 = tpu.memref_slice %arg9[%mul3A_2] : memref<102400xf32, #tpu.memory_space<vmem_shared>> -> memref<6400xf32, #tpu.memory_space<vmem_shared>>
      tpu.wait_dma2 semaphore(%run_scoped3A : memref<!tpu.dma_semaphore, #tpu.memory_space<semaphore_mem>>) src(%dma_wait3A_54 : memref<6400xf32, #tpu.memory_space<vmem_shared>>) dst(%dma_wait3A : memref<6400xf32, #tpu.memory_space<hbm>>)
      tpu.yield
    }) : () -> ()
    %mul3A_35 = arith.constant 3 : i32
    %mul3A_36 = arith.muli %arg0, %mul3A_35 : i32
    %add3A_37 = arith.constant 1 : i32
    %add3A_38 = arith.addi %mul3A_36, %add3A_37 : i32
    %mul3A_39 = arith.constant 102400 : i32
    %mul3A_40 = arith.muli %add3A_38, %mul3A_39 : i32
    %mul3A_41 = arith.constant 6400 : i32
    %mul3A_42 = arith.muli %arg1, %mul3A_41 : i32
    %add3A_43 = arith.addi %mul3A_40, %mul3A_42 : i32
    "tpu.region"() ({
      %run_scoped3A = tpu.sem_alloc : memref<!tpu.dma_semaphore, #tpu.memory_space<semaphore_mem>>
      %dma_start3A = tpu.memref_slice %arg5[%add3A_43] : memref<614400xf32, #tpu.memory_space<hbm>> -> memref<6400xf32, #tpu.memory_space<hbm>>
      %dma_start3A_53 = tpu.memref_slice %arg10[%mul3A_2] : memref<102400xf32, #tpu.memory_space<vmem_shared>> -> memref<6400xf32, #tpu.memory_space<vmem_shared>>
      tpu.enqueue_dma source(%dma_start3A_53 : memref<6400xf32, #tpu.memory_space<vmem_shared>>) target(%dma_start3A : memref<6400xf32, #tpu.memory_space<hbm>>) target_semaphore(%run_scoped3A : memref<!tpu.dma_semaphore, #tpu.memory_space<semaphore_mem>>)
      %dma_wait3A = tpu.memref_slice %arg5[%add3A_43] : memref<614400xf32, #tpu.memory_space<hbm>> -> memref<6400xf32, #tpu.memory_space<hbm>>
      %dma_wait3A_54 = tpu.memref_slice %arg10[%mul3A_2] : memref<102400xf32, #tpu.memory_space<vmem_shared>> -> memref<6400xf32, #tpu.memory_space<vmem_shared>>
      tpu.wait_dma2 semaphore(%run_scoped3A : memref<!tpu.dma_semaphore, #tpu.memory_space<semaphore_mem>>) src(%dma_wait3A_54 : memref<6400xf32, #tpu.memory_space<vmem_shared>>) dst(%dma_wait3A : memref<6400xf32, #tpu.memory_space<hbm>>)
      tpu.yield
    }) : () -> ()
    %mul3A_44 = arith.constant 3 : i32
    %mul3A_45 = arith.muli %arg0, %mul3A_44 : i32
    %add3A_46 = arith.constant 2 : i32
    %add3A_47 = arith.addi %mul3A_45, %add3A_46 : i32
    %mul3A_48 = arith.constant 102400 : i32
    %mul3A_49 = arith.muli %add3A_47, %mul3A_48 : i32
    %mul3A_50 = arith.constant 6400 : i32
    %mul3A_51 = arith.muli %arg1, %mul3A_50 : i32
    %add3A_52 = arith.addi %mul3A_49, %mul3A_51 : i32
    "tpu.region"() ({
      %run_scoped3A = tpu.sem_alloc : memref<!tpu.dma_semaphore, #tpu.memory_space<semaphore_mem>>
      %dma_start3A = tpu.memref_slice %arg5[%add3A_52] : memref<614400xf32, #tpu.memory_space<hbm>> -> memref<6400xf32, #tpu.memory_space<hbm>>
      %dma_start3A_53 = tpu.memref_slice %arg11[%mul3A_2] : memref<102400xf32, #tpu.memory_space<vmem_shared>> -> memref<6400xf32, #tpu.memory_space<vmem_shared>>
      tpu.enqueue_dma source(%dma_start3A_53 : memref<6400xf32, #tpu.memory_space<vmem_shared>>) target(%dma_start3A : memref<6400xf32, #tpu.memory_space<hbm>>) target_semaphore(%run_scoped3A : memref<!tpu.dma_semaphore, #tpu.memory_space<semaphore_mem>>)
      %dma_wait3A = tpu.memref_slice %arg5[%add3A_52] : memref<614400xf32, #tpu.memory_space<hbm>> -> memref<6400xf32, #tpu.memory_space<hbm>>
      %dma_wait3A_54 = tpu.memref_slice %arg11[%mul3A_2] : memref<102400xf32, #tpu.memory_space<vmem_shared>> -> memref<6400xf32, #tpu.memory_space<vmem_shared>>
      tpu.wait_dma2 semaphore(%run_scoped3A : memref<!tpu.dma_semaphore, #tpu.memory_space<semaphore_mem>>) src(%dma_wait3A_54 : memref<6400xf32, #tpu.memory_space<vmem_shared>>) dst(%dma_wait3A : memref<6400xf32, #tpu.memory_space<hbm>>)
      tpu.yield
    }) : () -> ()
    return
  }
}

</mosaic_0001>

<sc_bundles>
// kernel: kernel.4.cloned.1.call-start
scs
__scs_entry_jumppad:
0x0: {  	(pc) =	sbr.rel $0x88, $3  }
0x1: {  	(tag) =	ssettag $0x0;
	lr =	simm.s32 $0x1  }
0x2: {  	[smem:$0x3F9F] =	sst lr;
	_ =	strace $0xD0000000  }
0x3: {  	_ = 	snop  }
0x4: {  	_ = 	snop  }
0x5: {  	_ = 	snop  }
0x6: {  	_ = 	snop  }
0x7: {  	_ = 	snop  }
__scs_overlays_trampoline_lowered:
0x8: {  	[smem:$0x3FAE] =	sst s0  }
0x9: {  	[smem:$0x3FAF] =	sst s1  }
0xa: {  	[smem:$0x3FB0] =	sst s2  }
0xb: {  	[smem:$0x3FB1] =	sst s3  }
0xc: {  	[smem:$0x3FB2] =	sst s4  }
0xd: {  	[smem:$0x3FB3] =	sst s5  }
0xe: {  	[smem:$0x3FB4] =	sst s6  }
0xf: {  	[smem:$0x3FB5] =	sst s7  }
0x10: {  	[smem:$0x3FB6] =	sst s8  }
0x11: {  	[smem:$0x3FB7] =	sst s9;
	s0 =	simm.s32 @!p0 $0x0  }
0x12: {  	s1 =	sld [smem:$0x3F9D];
	s0 =	simm.s32 @p0 $0x1  }
0x13: {  	[smem:$0x3FB8] =	sst s0;
	s0 =	simm.s32 @!p1 $0x0  }
0x14: {  	s2 =	sld [smem:$0x3F9C];
	s0 =	simm.s32 @p1 $0x1  }
0x15: {  	[smem:$0x3FB9] =	sst s0;
	s0 =	simm.s32 @!p2 $0x0  }
0x16: {  	s3 =	sld [smem:$0x3FDB];
	s0 =	simm.s32 @p2 $0x1  }
0x17: {  	s4 =	simm.s32 $0x1BF5;
	[smem:$0x3FBB] =	sst s0  }
0x18: {  	s0 =	sld [smem:$0x3F9E];
	_ =	swait.ge [sflag:s4], $0x0  }
0x19: {  	s7 =	sld [smem:$0x3F9F]  }
0x1a: {  	s8 =	sadd.s32 $0xFFFFE003, lr  }
0x1b: {  	s9 =	sadd.s32 $0xFFFFFEF7, lr;
	s5 =	simm.s32 $0xFFFFFFFF;
	p2 =	slt.u32 s8, $0xFFFFF086  }
0x1c: {  	p1 =	slt.u32 s9, $0xF7A;
	s5 =	simm.s32 @!p2 $0x0  }
0x1d: {  	s5 =	simm.s32 @p1 $0x1;
	p0 =	seq.s32 s7, s2  }
0x1e: {  	s7 =	smul.u32 @!p0 $0xF7A, s2;
	p2 =	seq.s32 @!p0 s5, $0x0  }
0x1f: {  	s9 =	smul.u32 $0xF7A, s1;
	s8 =	simm.s32 @!p0 $0x1BF5;
	p2 =	por !p2, p0  }
0x20: {  	[sflag:s8] =	ssyncset.s32 @!p0 $0xFFFFF086;
	s6 =	sadd.s32 @!p0 s3, s7;
	s7 =	simm.s32 @!p0 $0x108  }
0x21: {  	s3 =	sadd.s32 s3, s9;
	s6 =	sadd.s32 @!p0 $0x88, s6;
	s7 =	simm.s32 @p2 $0x1082  }
0x22: {  	[simem:s7], [sflag:s8] =	dma.local @!p0 [hbm:s6], $0xF7A  }
0x23: {  	s9 =	sor.u32 $0xD0000000, s2;
	s6 =	simm.s32 $0x108;
	_ =	swait.ge @!p0 [sflag:s8], $0x0  }
0x24: {  	s3 =	sadd.s32 $0x88, s3;
	s6 =	simm.s32 @!p1 $0x1082;
	[sflag:s4] =	ssyncset.s32 $0xFFFFF086  }
0x25: {  	[simem:s6], [sflag:s4] =	dma.local [hbm:s3], $0xF7A  }
0x26: {  	[smem:$0x3F9F] =	sst s1;
	(tag) =	ssettag s2;
	_ =	strace s9  }
0x27: {  	s1 =	sld [smem:$0x3FAF]  }
0x28: {  	s2 =	sld [smem:$0x3FB0]  }
0x29: {  	s4 =	sld [smem:$0x3FB2]  }
0x2a: {  	p0 =	seq.s32 s5, $0x0;
	s5 =	sld [smem:$0x3FB3]  }
0x2b: {  	s6 =	sld [smem:$0x3FB4]  }
0x2c: {  	s7 =	sld [smem:$0x3FB5]  }
0x2d: {  	s3 =	simm.s32 $0x108;
	s8 =	sld [smem:$0x3FB6]  }
0x2e: {  	s3 =	simm.s32 @!p0 $0x1082;
	s9 =	sld [smem:$0x3FB7]  }
0x2f: {  	lr =	sadd.s32 s0, s3;
	s0 =	sld [smem:$0x3FAE]  }
0x30: {  	s3 =	sld [smem:$0x3FB1]  }
0x31: {  	[smem:$0x3FBA] =	sst s10  }
0x32: {  	s10 =	sld [smem:$0x3FB8];
	_ =	sdelay $0x3  }
0x33: {  	p0 =	seq.s32 s10, $0x1;
	s10 =	sld [smem:$0x3FBA];
	_ =	sdelay $0x3  }
0x34: {  	[smem:$0x3FBA] =	sst s10  }
0x35: {  	s10 =	sld [smem:$0x3FB9];
	_ =	sdelay $0x3  }
0x36: {  	p1 =	seq.s32 s10, $0x1;
	s10 =	sld [smem:$0x3FBA];
	_ =	sdelay $0x3  }
0x37: {  	[smem:$0x3FBA] =	sst s10  }
0x38: {  	s10 =	sld [smem:$0x3FBB]  }
0x39: {  	_ = 	snop;
	(pc) =	sbr.ind lr, $3  }
0x3a: {  	_ = 	snop  }
0x3b: {  	_ = 	snop  }
0x3c: {  	p2 =	seq.s32 s10, $0x1;
	s10 =	sld [smem:$0x3FBA]  }
0x3d: {  	_ =	shalt  }
0x3e: {  	_ =	shalt  }
0x3f: {  	_ =	shalt  }
0x40: {  	_ =	shalt  }
0x41: {  	_ =	shalt  }
0x42: {  	_ =	shalt  }
0x43: {  	_ =	shalt  }
0x44: {  	_ =	shalt  }
0x45: {  	_ =	shalt  }
0x46: {  	_ =	shalt  }
0x47: {  	_ =	shalt  }
0x48: {  	_ =	shalt  }
0x49: {  	_ =	shalt  }
0x4a: {  	_ =	shalt  }
0x4b: {  	_ =	shalt  }
0x4c: {  	_ =	shalt  }
0x4d: {  	_ =	shalt  }
0x4e: {  	_ =	shalt  }
0x4f: {  	_ =	shalt  }
0x50: {  	_ =	shalt  }
0x51: {  	_ =	shalt  }
0x52: {  	_ =	shalt  }
0x53: {  	_ =	shalt  }
0x54: {  	_ =	shalt  }
0x55: {  	_ =	shalt  }
0x56: {  	_ =	shalt  }
0x57: {  	_ =	shalt  }
0x58: {  	_ =	shalt  }
0x59: {  	_ =	shalt  }
0x5a: {  	_ =	shalt  }
0x5b: {  	_ =	shalt  }
0x5c: {  	_ =	shalt  }
0x5d: {  	_ =	shalt  }
0x5e: {  	_ =	shalt  }
0x5f: {  	_ =	shalt  }
0x60: {  	_ =	shalt  }
0x61: {  	_ =	shalt  }
0x62: {  	_ =	shalt  }
0x63: {  	_ =	shalt  }
0x64: {  	_ =	shalt  }
0x65: {  	_ =	shalt  }
0x66: {  	_ =	shalt  }
0x67: {  	_ =	shalt  }
0x68: {  	_ =	shalt  }
0x69: {  	_ =	shalt  }
0x6a: {  	_ =	shalt  }
0x6b: {  	_ =	shalt  }
0x6c: {  	_ =	shalt  }
0x6d: {  	_ =	shalt  }
0x6e: {  	_ =	shalt  }
0x6f: {  	_ =	shalt  }
0x70: {  	_ =	shalt  }
0x71: {  	_ =	shalt  }
0x72: {  	_ =	shalt  }
0x73: {  	_ =	shalt  }
0x74: {  	_ =	shalt  }
0x75: {  	_ =	shalt  }
0x76: {  	_ =	shalt  }
0x77: {  	_ =	shalt  }
0x78: {  	_ =	shalt  }
0x79: {  	_ =	shalt  }
0x7a: {  	_ =	shalt  }
0x7b: {  	_ =	shalt  }
0x7c: {  	_ =	shalt  }
0x7d: {  	_ =	shalt  }
0x7e: {  	_ =	shalt  }
0x7f: {  	_ =	shalt  }
0x80: {  	_ =	shalt  }
0x81: {  	_ =	shalt  }
0x82: {  	_ =	shalt  }
0x83: {  	_ =	shalt  }
0x84: {  	_ =	shalt  }
0x85: {  	_ =	shalt  }
0x86: {  	_ =	shalt  }
0x87: {  	_ =	shalt  }
.Lfunc_end0:
.L_simem_size_0:
called_computation_lowered:
.L_overlay_start_0:
0x88: {  	s2 =	sld [smem:$0x3FD9]  }
0x89: {  	s3 =	sld [smem:$0x3FFE];
	_ =	sdelay $0x1  }
0x8a: {  	s1 =	srdreg.scid  }
0x8b: {  	s0 =	sand.u32 $0x1, s1  }
0x8c: {  	s17 =	sshll.u32 s0, $0xA;
	s2 =	sadd.s32 s3, s2  }
0x8d: {  	s2 =	sadd.s32 s2, s17  }
0x8e: {  	[smem:$0x3FC6] =	sst s2  }
0x8f: {  	_ = 	snop  }
0x90: {  	s2 =	sld [smem:$0x3FD0];
	(tm) =	ssettm $0x1  }
0x91: {  	s18 =	sld [smem:$0x3FFB];
	_ =	sdelay $0x3  }
0x92: {  	_ =	strace s18  }
0x93: {  	s3 =	sld [smem:$0x3FFC];
	_ =	sdelay $0x3  }
0x94: {  	_ =	strace s3  }
0x95: {  	s3 =	sld [smem:$0x3FFD];
	_ =	sdelay $0x3  }
0x96: {  	_ =	strace s3  }
0x97: {  	_ =	strace $0x8FFFFFFF  }
0x98: {  	s19 =	sld [smem:$0x3FDB];
	_ =	sdelay $0x1  }
0x99: {  	s4 =	simm.s32 $_scs_section_size  }
0x9a: {  	s5 =	simm.s32 $_size__tile_overlayer_lowered;
	s6 =	simm.s32 $_tile_overlayer_lowered  }
0x9b: {  	s22 =	simm.s32 $0x1BFF;
	s21 =	sshll.u32 s6, $0x1;
	s3 =	sadd.s32 s4, s19  }
0x9c: {  	s7 =	simm.s32 $0x0;
	s20 =	sshll.u32 s5, $0x1;
	s5 =	sadd.s32 s21, s3  }
0x9d: {  	[timem:s7], [sflag:s22] =	dma.local [hbm:s5], s20  }
0x9e: {  	_ =	swait.ge [sflag:s22], s20  }
0x9f: {  	s4 =	ssub.s32 $0x0, s20;
	[sflag:s22] =	ssyncset.done $0x0  }
0xa0: {  	[sflag:s22] =	ssyncadd.s32 s4;
	_ =	sdelay $0x1  }
0xa1: {  	s23 =	simm.s32 $0x1B8B  }
0xa2: {  	_ =	swait.ge [sflag:s23], $0x1  }
0xa3: {  	[sflag:s23] =	ssyncset.done $0x0  }
0xa4: {  	s25 =	simm.s32 $0x1B8E;
	s24 =	sld [smem:$0x3FFE];
	[sflag:s23] =	ssyncadd.s32 $0xFFFFFFFF  }
0xa5: {  	s26 =	simm.s32 $execute0_lowered;
	[smem:$0x3FD2] =	sst s25  }
0xa6: {  	s5 =	sshll.u32 s26, $0x1;
	_ =	strace $0x80000046;
	[dreg:$0x1] =	wrdreg $0xFFFFFFFF  }
0xa7: {  	s28 =	simm.s32 $_size_execute0_lowered;
	s3 =	sadd.s32 s3, s5;
	[dreg:$0x0] =	wrdreg $0x0  }
0xa8: {  	s5 =	sshll.u32 s28, $0x1;
	[dreg:$0x2] =	wrdreg s3  }
0xa9: {  	[dreg:$0x3] =	wrdreg s5  }
0xaa: {  	[dreg:$0x4] =	wrdreg $0xC0  }
0xab: {  	_ =	task [dreg:s7], $0x5FFFF  }
0xac: {  	[dreg:$0x1] =	wrdreg $0xFFFFFFFF  }
0xad: {  	[dreg:$0x0] =	wrdreg $0x60  }
0xae: {  	[dreg:$0x2] =	wrdreg s2  }
0xaf: {  	[dreg:$0x3] =	wrdreg s24  }
0xb0: {  	[dreg:$0x4] =	wrdreg $0x0  }
0xb1: {  	[dreg:$0x5] =	wrdreg $0x4B000  }
0xb2: {  	[dreg:$0x6] =	wrdreg $0x19000  }
0xb3: {  	[dreg:$0x7] =	wrdreg $0x64000  }
0xb4: {  	[dreg:$0x8] =	wrdreg $0x32000  }
0xb5: {  	[dreg:$0x9] =	wrdreg $0x7D000  }
0xb6: {  	[dreg:$0xa] =	wrdreg $0x9  }
0xb7: {  	_ =	task.clear_ibuf [dreg:s7], $0xBFFFF;
	_ =	strace $0x90000046  }
0xb8: {  	s29 =	simm.s32 $0x9;
	_ =	strace $0x80000048  }
0xb9: {  	_ =	swait.ge [sflag:s29], $0x1  }
0xba: {  	[sflag:s29] =	ssyncadd.s32 $0xFFFFFFFF  }
0xbb: {  	_ =	strace $0x90000048  }
0xbc: {  	_ =	sfence  }
0xbd: {  	s30 =	sld [smem:$0x0];
	_ =	sdelay $0x2  }
0xbe: {  	s31 =	sshll.u32 s1, $0xD;
	s1 =	sshrl.u32 s1, $0x2  }
0xbf: {  	s3 =	sand.u32 $0x4000, s31;
	s1 =	sadd.s32 s1, s30  }
0xc0: {  	s0 =	sor.u32 s3, s0;
	s1 =	sshll.u32 s1, $0x11  }
0xc1: {  	s0 =	sor.u32 s1, s0  }
0xc2: {  	s0 =	sadd.s32 $0x8F2B, s0  }
0xc3: {  	[sflag:s0] =	ssyncadd.remote.s32 $0x1  }
0xc4: {  	_ =	sfence.sel $0xFFFF  }
0xc5: {  	[dreg:$0x0] =	wrdreg $0xFFFFFFFF;
	(pc) =	sbr.abs _section_cstart, $3  }
0xc6: {  	[dreg:$0x1] =	wrdreg $0xFFFFFFFF  }
0xc7: {  	_ =	task.clear_ibuf [dreg:s7], $0x2FFFF;
	_ =	strace $0x9FFFFFFF  }
0xc8: {  	(tm) =	ssettm $0x7FFFFFFF  }
0xc9: {  	_ =	shalt  }
tec
execute0_lowered:
.L_overlay_start_1:
0x0: {  	(tag) =	ssettag $0x1  }
0x1: {  	s0 =	rddreg [dreg:$0x0]  }
0x2: {  	s4 =	rddreg [dreg:$0x1]  }
0x3: {  	s1 =	rddreg [dreg:$0x2]  }
0x4: {  	s2 =	rddreg [dreg:$0x3]  }
0x5: {  	s3 =	rddreg [dreg:$0x4]  }
0x6: {  	s5 =	rddreg [dreg:$0x5]  }
0x7: {  	s6 =	rddreg [dreg:$0x6]  }
0x8: {  	s7 =	rddreg [dreg:$0x7];
	s17 =	stileid.u32  }
0x9: {  	s9 =	srdreg.scid;
	s8 =	simm.s32 $0x0;
	s28 =	simm.s32 $0x9600  }
0xa: {  	s29 =	simm.s32 $0x80;
	s30 =	simm.s32 $0x9780;
	s31 =	simm.s32 $0x9800  }
0xb: {  	s11 =	smul.u32 $0x1900, s17;
	s9 =	sand.u32 $0x1, s9;
	[smem:$0x7FF] =	sst s8  }
0xc: {  	s13 =	sadd.s32 $0x600, s4;
	s20 =	sshll.u32 s17, $0x6;
	s22 =	smul.u32 $0x4B00, s17  }
0xd: {  	s12 =	smul.u32 $0x4B000, s9;
	_ =	strace $0x80000047;
	s9 =	ssub.s32 $0x2, s9  }
0xe: {  	s14 =	sshrl.u32 s11, $0x3;
	s15 =	sshrl.u32 s9, $0x1;
	s21 =	sadd.s32 s11, s2  }
0xf: {  	s25 =	sadd.s32 s11, s5;
	s10 =	sadd.s32 s11, s12;
	s16 =	sadd.s32 s14, s4  }
0x10: {  	s9 =	ssub.s32 s9, s15;
	s15 =	sadd.s32 s11, s1;
	[dreg:$0xb] =	wrdreg s21  }
0x11: {  	s18 =	sadd.s32 s0, s14;
	s14 =	sadd.s32 s11, s3;
	[dreg:$0xe] =	wrdreg s25  }
0x12: {  	s0 =	sadd.s32 s22, s12;
	s10 =	sshrl.u32 s10, $0x3;
	s23 =	sadd.s32 $0x13200, s16  }
0x13: {  	s24 =	sadd.s32 $0x3200, s18;
	s16 =	sadd.s32 s11, s6;
	[dreg:$0xa] =	wrdreg s18  }
0x14: {  	s26 =	sadd.s32 $0x6400, s18;
	s11 =	sadd.s32 s11, s7;
	s17 =	sshrl.u32 s0, $0x3  }
0x15: {  	s18 =	sadd.s32 $0x1900, s0;
	s0 =	sadd.s32 $0x3200, s0;
	[dreg:$0xc] =	wrdreg s23  }
0x16: {  	s25 =	sshrl.u32 s14, $0x3;
	s14 =	simm.s32 $0x9A00;
	[dreg:$0xd] =	wrdreg s24  }
0x17: {  	s4 =	sadd.s32 s10, s4;
	s10 =	sor.u32 $0x1C01, s20;
	[dreg:$0xf] =	wrdreg s26  }
0x18: {  	[dreg:$0x10] =	wrdreg s11;
	s11 =	sadd.s32 s17, s13;
	s19 =	sshrl.u32 s18, $0x3  }
0x19: {  	s0 =	sshrl.u32 s0, $0x3;
	s23 =	smax.u32 s9, $0x1;
	s24 =	sshrl.u32 s15, $0x3  }
0x1a: {  	[dreg:$0x16] =	wrdreg s25;
	s26 =	sshrl.u32 s16, $0x3;
	s15 =	simm.s32 $0x9700  }
0x1b: {  	s16 =	simm.s32 $0x9A80;
	s17 =	simm.s32 $0x9B00;
	[dreg:$0x9] =	wrdreg s11  }
0x1c: {  	s9 =	simm.s32 $0x9C80;
	s20 =	sadd.s32 $0x16400, s4;
	[dreg:$0x14] =	wrdreg s23  }
0x1d: {  	s18 =	sadd.s32 s19, s13;
	s19 =	sadd.s32 s0, s13;
	[dreg:$0x15] =	wrdreg s24  }
0x1e: {  	s21 =	sadd.s32 $0x19600, s4;
	s22 =	sadd.s32 $0x1C800, s4;
	[dreg:$0x17] =	wrdreg s26  }
0x1f: {  	s26 =	simm.s32 $0x1;
	s0 =	simm.s32 $0x9880;
	[dreg:$0x11] =	wrdreg s20  }
0x20: {  	s4 =	simm.s32 $0x9680;
	s11 =	simm.s32 $0x9900;
	[dreg:$0x12] =	wrdreg s21  }
0x21: {  	s13 =	simm.s32 $0x9980;
	s23 =	simm.s32 $0x0;
	[dreg:$0x13] =	wrdreg s22  }
0x22: {  	s20 =	simm.s32 $0x9B80;
	s21 =	simm.s32 $0x9C00;
	s22 =	simm.s32 $0x9D00  }
.LBB2_1:
0x23: {  	s12 =	rddreg [dreg:$0xa]  }
0x24: {  	s24 =	rddreg [dreg:$0x15]  }
0x25: {  	[spmem:s24], [sflag:s10] =	dma.local [hbm:s12], $0x320  }
0x26: {  	_ =	swait.ge [sflag:s26], $0x320  }
0x27: {  	s24 =	rddreg [dreg:$0xb]  }
0x28: {  	[sflag:s26] =	ssyncset.done $0x0;
	s12 =	sshrl.u32 s24, $0x3;
	s24 =	rddreg [dreg:$0xc]  }
0x29: {  	[sflag:s26] =	ssyncadd.s32 $0xFFFFFCE0;
	[dreg:$0x18] =	wrdreg s12  }
0x2a: {  	[spmem:s12], [sflag:s10] =	dma.local [hbm:s24], $0x320  }
0x2b: {  	_ =	swait.ge [sflag:s26], $0x320  }
0x2c: {  	[sflag:s26] =	ssyncset.done $0x0;
	s12 =	rddreg [dreg:$0xd]  }
0x2d: {  	s25 =	rddreg [dreg:$0x16];
	[sflag:s26] =	ssyncadd.s32 $0xFFFFFCE0  }
0x2e: {  	[spmem:s25], [sflag:s10] =	dma.local [hbm:s12], $0x320  }
0x2f: {  	_ =	swait.ge [sflag:s26], $0x320  }
0x30: {  	s25 =	rddreg [dreg:$0xe]  }
0x31: {  	[sflag:s26] =	ssyncset.done $0x0;
	s12 =	sshrl.u32 s25, $0x3  }
0x32: {  	[sflag:s26] =	ssyncadd.s32 $0xFFFFFCE0;
	[dreg:$0x19] =	wrdreg s12  }
0x33: {  	[spmem:s12], [sflag:s10] =	dma.local [hbm:s24], $0x320  }
0x34: {  	_ =	swait.ge [sflag:s26], $0x320  }
0x35: {  	[sflag:s26] =	ssyncset.done $0x0;
	s12 =	rddreg [dreg:$0xf]  }
0x36: {  	s25 =	rddreg [dreg:$0x17];
	[sflag:s26] =	ssyncadd.s32 $0xFFFFFCE0  }
0x37: {  	[spmem:s25], [sflag:s10] =	dma.local [hbm:s12], $0x320  }
0x38: {  	_ =	swait.ge [sflag:s26], $0x320  }
0x39: {  	[sflag:s26] =	ssyncset.done $0x0;
	s25 =	rddreg [dreg:$0x10]  }
0x3a: {  	[sflag:s26] =	ssyncadd.s32 $0xFFFFFCE0;
	s12 =	sshrl.u32 s25, $0x3  }
0x3b: {  	[spmem:s12], [sflag:s10] =	dma.local [hbm:s24], $0x320  }
0x3c: {  	_ =	swait.ge [sflag:s26], $0x320  }
0x3d: {  	[sflag:s26] =	ssyncset.done $0x0  }
0x3e: {  	[sflag:s26] =	ssyncadd.s32 $0xFFFFFCE0  }
0x3f: {  	s24 =	simm.s32 $0x0;
	[bflag:$0x0] =	sbarrier.arrive $0xFFFF  }
.LBB2_2:
0x40: {  	s25 =	rddreg [dreg:$0x9]  }
0x41: {  	s25 =	sadd.s32 s24, s25  }
0x42: {  	[tilespmem:s28], [sflag:$0x1] =	stream.linear.gather [hbm4b:s25+s8], $0x80, $0x38;
	[tilespmem:$0x9D80] =	vst v63  }
0x43: {  	_ =	swait.ge [sflag:s26], $0x80  }
0x44: {  	[sflag:s26] =	ssyncset.done $0x0  }
0x45: {  	[sflag:s26] =	ssyncadd.s32 $0xFFFFFF80  }
0x46: {  	[tilespmem:s30], [sflag:$0x1] =	stream.indirect.gather [spmem:s1], $0x1, s28, s29, $0xb8;
	[tilespmem:$0x9D80] =	vst v63  }
0x47: {  	_ =	swait.ge [sflag:s26], $0x80  }
0x48: {  	[sflag:s26] =	ssyncset.done $0x0  }
0x49: {  	[sflag:s26] =	ssyncadd.s32 $0xFFFFFF80  }
0x4a: {  	[tilespmem:s31], [sflag:$0x1] =	stream.indirect.gather [spmem:s3], $0x1, s28, s29, $0xb8;
	[tilespmem:$0x9D80] =	vst v63  }
0x4b: {  	_ =	swait.ge [sflag:s26], $0x80  }
0x4c: {  	[sflag:s26] =	ssyncset.done $0x0  }
0x4d: {  	[sflag:s26] =	ssyncadd.s32 $0xFFFFFF80  }
0x4e: {  	[tilespmem:s0], [sflag:$0x1] =	stream.indirect.gather [spmem:s6], $0x1, s28, s29, $0xb8;
	[tilespmem:$0x9D80] =	vst v63  }
0x4f: {  	_ =	swait.ge [sflag:s26], $0x80  }
0x50: {  	[sflag:s26] =	ssyncset.done $0x0  }
0x51: {  	s25 =	sadd.s32 s24, s18;
	[sflag:s26] =	ssyncadd.s32 $0xFFFFFF80  }
0x52: {  	[tilespmem:s4], [sflag:$0x1] =	stream.linear.gather [hbm4b:s25+s8], $0x80, $0x38;
	[tilespmem:$0x9D80] =	vst v63  }
0x53: {  	_ =	swait.ge [sflag:s26], $0x80  }
0x54: {  	[sflag:s26] =	ssyncset.done $0x0  }
0x55: {  	[sflag:s26] =	ssyncadd.s32 $0xFFFFFF80  }
0x56: {  	[tilespmem:s11], [sflag:$0x1] =	stream.indirect.gather [spmem:s1], $0x1, s4, s29, $0xb8;
	[tilespmem:$0x9D80] =	vst v63  }
0x57: {  	_ =	swait.ge [sflag:s26], $0x80  }
0x58: {  	[sflag:s26] =	ssyncset.done $0x0  }
0x59: {  	[sflag:s26] =	ssyncadd.s32 $0xFFFFFF80  }
0x5a: {  	[tilespmem:s13], [sflag:$0x1] =	stream.indirect.gather [spmem:s3], $0x1, s4, s29, $0xb8;
	[tilespmem:$0x9D80] =	vst v63  }
0x5b: {  	_ =	swait.ge [sflag:s26], $0x80  }
0x5c: {  	[sflag:s26] =	ssyncset.done $0x0  }
0x5d: {  	[sflag:s26] =	ssyncadd.s32 $0xFFFFFF80  }
0x5e: {  	[tilespmem:s14], [sflag:$0x1] =	stream.indirect.gather [spmem:s6], $0x1, s4, s29, $0xb8;
	[tilespmem:$0x9D80] =	vst v63  }
0x5f: {  	_ =	swait.ge [sflag:s26], $0x80  }
0x60: {  	[sflag:s26] =	ssyncset.done $0x0  }
0x61: {  	s25 =	sadd.s32 s24, s19;
	[sflag:s26] =	ssyncadd.s32 $0xFFFFFF80  }
0x62: {  	[tilespmem:s15], [sflag:$0x1] =	stream.linear.gather [hbm4b:s25+s8], $0x80, $0x38;
	[tilespmem:$0x9D80] =	vst v63  }
0x63: {  	_ =	swait.ge [sflag:s26], $0x80  }
0x64: {  	[sflag:s26] =	ssyncset.done $0x0  }
0x65: {  	[sflag:s26] =	ssyncadd.s32 $0xFFFFFF80  }
0x66: {  	[tilespmem:s16], [sflag:$0x1] =	stream.indirect.gather [spmem:s1], $0x1, s15, s29, $0xb8;
	[tilespmem:$0x9D80] =	vst v63  }
0x67: {  	_ =	swait.ge [sflag:s26], $0x80  }
0x68: {  	[sflag:s26] =	ssyncset.done $0x0  }
0x69: {  	[sflag:s26] =	ssyncadd.s32 $0xFFFFFF80  }
0x6a: {  	[tilespmem:s17], [sflag:$0x1] =	stream.indirect.gather [spmem:s3], $0x1, s15, s29, $0xb8;
	[tilespmem:$0x9D80] =	vst v63  }
0x6b: {  	_ =	swait.ge [sflag:s26], $0x80  }
0x6c: {  	[sflag:s26] =	ssyncset.done $0x0  }
0x6d: {  	[sflag:s26] =	ssyncadd.s32 $0xFFFFFF80  }
0x6e: {  	[tilespmem:s20], [sflag:$0x1] =	stream.indirect.gather [spmem:s6], $0x1, s15, s29, $0xb8;
	[tilespmem:$0x9D80] =	vst v63  }
0x6f: {  	_ =	swait.ge [sflag:s26], $0x80  }
0x70: {  	[sflag:s26] =	ssyncset.done $0x0  }
0x71: {  	[sflag:s26] =	ssyncadd.s32 $0xFFFFFF80  }
0x72: {  	v0 =	vld [tilespmem:$0x9780]  }
0x73: {  	v1 =	vld [tilespmem:$0x9800]  }
0x74: {  	v2 =	vld [tilespmem:$0x9880]  }
0x75: {  	v3 =	vld [tilespmem:$0x9900]  }
0x76: {  	v4 =	vld [tilespmem:$0x9980]  }
0x77: {  	v5 =	vld [tilespmem:$0x9A00]  }
0x78: {  	v6 =	vld [tilespmem:$0x9A80]  }
0x79: {  	v7 =	vld [tilespmem:$0x9B00]  }
0x7a: {  	v8 =	vld [tilespmem:$0x9B80]  }
0x7b: {  	v9 =	vld [tilespmem:$0x9790]  }
0x7c: {  	v10 =	vld [tilespmem:$0x9810]  }
0x7d: {  	v11 =	vld [tilespmem:$0x9890]  }
0x7e: {  	v12 =	vld [tilespmem:$0x9910]  }
0x7f: {  	v13 =	vld [tilespmem:$0x9990]  }
0x80: {  	v14 =	vld [tilespmem:$0x9A10]  }
0x81: {  	v15 =	vld [tilespmem:$0x9A90]  }
0x82: {  	v16 =	vld [tilespmem:$0x9B10]  }
0x83: {  	v17 =	vld [tilespmem:$0x9B90]  }
0x84: {  	v18 =	vld [tilespmem:$0x97A0]  }
0x85: {  	v19 =	vld [tilespmem:$0x9820]  }
0x86: {  	v20 =	vld [tilespmem:$0x98A0]  }
0x87: {  	v21 =	vld [tilespmem:$0x9920]  }
0x88: {  	v22 =	vld [tilespmem:$0x99A0]  }
0x89: {  	v23 =	vld [tilespmem:$0x9A20]  }
0x8a: {  	v24 =	vld [tilespmem:$0x9AA0]  }
0x8b: {  	v25 =	vld [tilespmem:$0x9B20]  }
0x8c: {  	v26 =	vld [tilespmem:$0x9BA0]  }
0x8d: {  	v27 =	vld [tilespmem:$0x97B0]  }
0x8e: {  	v28 =	vld [tilespmem:$0x9830]  }
0x8f: {  	v29 =	vld [tilespmem:$0x98B0]  }
0x90: {  	v30 =	vld [tilespmem:$0x9930]  }
0x91: {  	v31 =	vld [tilespmem:$0x99B0]  }
0x92: {  	v32 =	vld [tilespmem:$0x9A30]  }
0x93: {  	v33 =	vld [tilespmem:$0x9AB0]  }
0x94: {  	v34 =	vld [tilespmem:$0x9B30]  }
0x95: {  	v35 =	vld [tilespmem:$0x9BB0]  }
0x96: {  	v36 =	vld [tilespmem:$0x97C0];
	v4 =	vsub.f32 v4, v1  }
0x97: {  	v39 =	vld [tilespmem:$0x9940];
	v5 =	vsub.f32 v5, v2;
	v1 =	vsub.f32 v7, v1  }
0x98: {  	v63 =	vld [tilespmem:$0x9A40];
	v2 =	vsub.f32 v8, v2;
	v6 =	vsub.f32 v6, v0  }
0x99: {  	v40 =	vld [tilespmem:$0x9AC0];
	v0 =	vsub.f32 v3, v0;
	v12 =	vsub.f32 v12, v9  }
0x9a: {  	v45 =	vld [tilespmem:$0x9B40];
	v13 =	vsub.f32 v13, v10;
	v17 =	vsub.f32 v17, v11  }
0x9b: {  	v47 =	vld [tilespmem:$0x9BC0];
	v44 =	vsub.f32 v14, v11;
	v10 =	vsub.f32 v16, v10  }
0x9c: {  	v56 =	vld [tilespmem:$0x9B50];
	v9 =	vsub.f32 v15, v9;
	v49 =	vsub.f32 v22, v19  }
0x9d: {  	v59 =	vld [tilespmem:$0x9BD0];
	v50 =	vsub.f32 v23, v20;
	v19 =	vsub.f32 v25, v19  }
0x9e: {  	v43 =	vld [tilespmem:$0x9A60];
	v20 =	vsub.f32 v26, v20;
	v51 =	vsub.f32 v21, v18  }
0x9f: {  	v7 =	vld [tilespmem:$0x9840];
	v18 =	vsub.f32 v24, v18;
	v37 =	vmul.f32 v2, v4;
	v38 =	vmul.f32 v1, v5  }
0xa0: {  	v8 =	vld [tilespmem:$0x98C0];
	v57 =	vsub.f32 v31, v28;
	v5 =	vmul.f32 v6, v5;
	v2 =	vmul.f32 v2, v0  }
0xa1: {  	v3 =	vld [tilespmem:$0x99C0];
	v58 =	vsub.f32 v35, v29;
	v0 =	vmul.f32 v1, v0;
	v4 =	vmul.f32 v6, v4  }
0xa2: {  	v16 =	vld [tilespmem:$0x97D0];
	v60 =	vsub.f32 v30, v27;
	v46 =	vmul.f32 v17, v13;
	v14 =	vmul.f32 v10, v44  }
0xa3: {  	v22 =	vld [tilespmem:$0x9850];
	v28 =	vsub.f32 v34, v28;
	v48 =	vmul.f32 v17, v12;
	v10 =	vmul.f32 v10, v12  }
0xa4: {  	v23 =	vld [tilespmem:$0x98D0];
	v61 =	vsub.f32 v32, v29;
	v1 =	vmul.f32 v9, v44;
	v9 =	vmul.f32 v9, v13  }
0xa5: {  	v21 =	vld [tilespmem:$0x9950];
	v27 =	vsub.f32 v33, v27;
	v52 =	vmul.f32 v20, v49;
	v53 =	vmul.f32 v19, v50  }
0xa6: {  	v25 =	vld [tilespmem:$0x99D0];
	v41 =	vsub.f32 v39, v36;
	v54 =	vmul.f32 v18, v50;
	v55 =	vmul.f32 v20, v51  }
0xa7: {  	v30 =	vld [tilespmem:$0x97E0];
	v42 =	vsub.f32 v40, v36;
	v13 =	vmul.f32 v19, v51;
	v12 =	vmul.f32 v18, v49  }
0xa8: {  	v31 =	vld [tilespmem:$0x9860];
	v24 =	vmul.f32 v58, v60;
	v37 =	vsub.f32 v37, v38;
	v2 =	vsub.f32 v5, v2  }
0xa9: {  	v32 =	vld [tilespmem:$0x98E0];
	v19 =	vmul.f32 v28, v60;
	v0 =	vsub.f32 v0, v4;
	v5 =	vsub.f32 v46, v14  }
0xaa: {  	v11 =	vld [tilespmem:$0x9960];
	v18 =	vmul.f32 v27, v61;
	v1 =	vsub.f32 v1, v48;
	v9 =	vsub.f32 v10, v9  }
0xab: {  	v34 =	vld [tilespmem:$0x9A70];
	v17 =	vmul.f32 v27, v57;
	v4 =	vsub.f32 v52, v53;
	v14 =	vsub.f32 v54, v55  }
0xac: {  	v39 =	vld [tilespmem:$0x9B70];
	v62 =	vmul.f32 v58, v57;
	v12 =	vsub.f32 v13, v12;
	v50 =	vsub.f32 v18, v24  }
0xad: {  	v20 =	vld [tilespmem:$0x9A50];
	v28 =	vmul.f32 v28, v61;
	v17 =	vsub.f32 v19, v17;
	v3 =	vsub.f32 v3, v7  }
0xae: {  	v49 =	vld [tilespmem:$0x9B60];
	v7 =	vsub.f32 v45, v7;
	v63 =	vsub.f32 v63, v8;
	[tilespmem:$0x9C00] =	vst v37  }
0xaf: {  	v51 =	vld [tilespmem:$0x9BE0];
	v6 =	vsub.f32 v47, v8;
	v47 =	vsub.f32 v62, v28;
	[tilespmem:$0x9C80] =	vst v2  }
0xb0: {  	v58 =	vld [tilespmem:$0x98F0];
	v54 =	vsub.f32 v25, v22;
	v15 =	vsub.f32 v56, v22;
	[tilespmem:$0x9D00] =	vst v0  }
0xb1: {  	v60 =	vld [tilespmem:$0x9970];
	v57 =	vsub.f32 v59, v23;
	v61 =	vsub.f32 v21, v16;
	[tilespmem:$0x9C10] =	vst v5  }
0xb2: {  	v10 =	vld [tilespmem:$0x9AD0];
	v38 =	vsub.f32 v43, v32;
	[tilespmem:$0x9C90] =	vst v1;
	v44 =	vmul.f32 v6, v3;
	v45 =	vmul.f32 v7, v63  }
0xb3: {  	v46 =	vld [tilespmem:$0x9AE0];
	v11 =	vsub.f32 v11, v30;
	[tilespmem:$0x9D10] =	vst v9;
	v48 =	vmul.f32 v42, v63;
	v6 =	vmul.f32 v6, v41  }
0xb4: {  	v55 =	vld [tilespmem:$0x9870];
	[tilespmem:$0x9C20] =	vst v4;
	v7 =	vmul.f32 v7, v41;
	v53 =	vmul.f32 v42, v3;
	v56 =	vsub.f32 v20, v23  }
0xb5: {  	v8 =	vld [tilespmem:$0x99E0];
	[tilespmem:$0x9CA0] =	vst v14;
	v62 =	vmul.f32 v57, v54;
	v33 =	vsub.f32 v49, v31;
	v18 =	vsub.f32 v51, v32  }
0xb6: {  	v28 =	vld [tilespmem:$0x99F0];
	[tilespmem:$0x9D20] =	vst v12;
	v36 =	vmul.f32 v57, v61;
	v51 =	vsub.f32 v34, v58;
	v52 =	vsub.f32 v44, v45  }
0xb7: {  	v13 =	vld [tilespmem:$0x97F0];
	[tilespmem:$0x9CB0] =	vst v50;
	v6 =	vsub.f32 v48, v6;
	v1 =	vsub.f32 v7, v53;
	v63 =	vmul.f32 v15, v56  }
0xb8: {  	[tilespmem:$0x9D30] =	vst v17;
	v41 =	vld [tilespmem:$0x9BF0];
	v59 =	vsub.f32 v10, v16;
	v10 =	vmul.f32 v15, v61;
	v43 =	vmul.f32 v33, v38  }
0xb9: {  	[tilespmem:$0x9C30] =	vst v47;
	v44 =	vld [tilespmem:$0x9AF0];
	v45 =	vsub.f32 v46, v30;
	v47 =	vmul.f32 v18, v11;
	v48 =	vmul.f32 v33, v11  }
0xba: {  	v50 =	vsub.f32 v39, v55;
	v8 =	vsub.f32 v8, v31;
	v9 =	vmul.f32 v59, v56;
	[tilespmem:$0x9C40] =	vst v52  }
0xbb: {  	v49 =	vsub.f32 v28, v55;
	v40 =	vsub.f32 v62, v63;
	v3 =	vmul.f32 v59, v54;
	[tilespmem:$0x9CC0] =	vst v6  }
0xbc: {  	[tilespmem:$0x9D40] =	vst v1;
	v52 =	vmul.f32 v45, v38;
	v54 =	vsub.f32 v60, v13;
	v2 =	vsub.f32 v9, v36  }
0xbd: {  	v42 =	vmul.f32 v18, v8;
	v4 =	vsub.f32 v41, v58;
	v3 =	vsub.f32 v10, v3;
	[tilespmem:$0x9C50] =	vst v40  }
0xbe: {  	v53 =	vmul.f32 v45, v8;
	v56 =	vsub.f32 v52, v47;
	v55 =	vsub.f32 v44, v13;
	[tilespmem:$0x9CD0] =	vst v2  }
0xbf: {  	v58 =	vmul.f32 v50, v51;
	v46 =	vsub.f32 v42, v43;
	v57 =	vmul.f32 v4, v49;
	[tilespmem:$0x9D50] =	vst v3  }
0xc0: {  	v1 =	vsub.f32 v48, v53;
	v59 =	vmul.f32 v4, v54;
	[tilespmem:$0x9CE0] =	vst v56;
	v0 =	vmul.f32 v55, v51  }
0xc1: {  	v61 =	vmul.f32 v50, v54;
	[tilespmem:$0x9C60] =	vst v46;
	v60 =	vsub.f32 v57, v58;
	v62 =	vmul.f32 v55, v49  }
0xc2: {  	[tilespmem:$0x9D60] =	vst v1;
	v0 =	vsub.f32 v0, v59  }
0xc3: {  	[tilespmem:$0x9C70] =	vst v60;
	v63 =	vsub.f32 v61, v62  }
0xc4: {  	[tilespmem:$0x9CF0] =	vst v0  }
0xc5: {  	[tilespmem:$0x9D70] =	vst v63  }
0xc6: {  	[spmem:s2] =	stream.indirect.scatter.add.f32 [tilespmem:s21], [sflag:$0x1], $0x1, s28, s29, $0xb8;
	[tilespmem:$0x9D80] =	vst v63  }
0xc7: {  	_ =	swait.ge [sflag:s26], $0x80  }
0xc8: {  	[sflag:s26] =	ssyncset.done $0x0  }
0xc9: {  	[sflag:s26] =	ssyncadd.s32 $0xFFFFFF80  }
0xca: {  	[spmem:s5] =	stream.indirect.scatter.add.f32 [tilespmem:s9], [sflag:$0x1], $0x1, s28, s29, $0xb8;
	[tilespmem:$0x9D80] =	vst v63  }
0xcb: {  	_ =	swait.ge [sflag:s26], $0x80  }
0xcc: {  	[sflag:s26] =	ssyncset.done $0x0  }
0xcd: {  	[sflag:s26] =	ssyncadd.s32 $0xFFFFFF80  }
0xce: {  	[spmem:s7] =	stream.indirect.scatter.add.f32 [tilespmem:s22], [sflag:$0x1], $0x1, s28, s29, $0xb8;
	[tilespmem:$0x9D80] =	vst v63  }
0xcf: {  	_ =	swait.ge [sflag:s26], $0x80  }
0xd0: {  	[sflag:s26] =	ssyncset.done $0x0  }
0xd1: {  	[sflag:s26] =	ssyncadd.s32 $0xFFFFFF80  }
0xd2: {  	[spmem:s2] =	stream.indirect.scatter.add.f32 [tilespmem:s21], [sflag:$0x1], $0x1, s4, s29, $0xb8;
	[tilespmem:$0x9D80] =	vst v63  }
0xd3: {  	_ =	swait.ge [sflag:s26], $0x80  }
0xd4: {  	[sflag:s26] =	ssyncset.done $0x0  }
0xd5: {  	[sflag:s26] =	ssyncadd.s32 $0xFFFFFF80  }
0xd6: {  	[spmem:s5] =	stream.indirect.scatter.add.f32 [tilespmem:s9], [sflag:$0x1], $0x1, s4, s29, $0xb8;
	[tilespmem:$0x9D80] =	vst v63  }
0xd7: {  	_ =	swait.ge [sflag:s26], $0x80  }
0xd8: {  	[sflag:s26] =	ssyncset.done $0x0  }
0xd9: {  	[sflag:s26] =	ssyncadd.s32 $0xFFFFFF80  }
0xda: {  	[spmem:s7] =	stream.indirect.scatter.add.f32 [tilespmem:s22], [sflag:$0x1], $0x1, s4, s29, $0xb8;
	[tilespmem:$0x9D80] =	vst v63  }
0xdb: {  	_ =	swait.ge [sflag:s26], $0x80  }
0xdc: {  	[sflag:s26] =	ssyncset.done $0x0  }
0xdd: {  	[sflag:s26] =	ssyncadd.s32 $0xFFFFFF80  }
0xde: {  	[spmem:s2] =	stream.indirect.scatter.add.f32 [tilespmem:s21], [sflag:$0x1], $0x1, s15, s29, $0xb8;
	[tilespmem:$0x9D80] =	vst v63  }
0xdf: {  	_ =	swait.ge [sflag:s26], $0x80  }
0xe0: {  	[sflag:s26] =	ssyncset.done $0x0  }
0xe1: {  	[sflag:s26] =	ssyncadd.s32 $0xFFFFFF80  }
0xe2: {  	[spmem:s5] =	stream.indirect.scatter.add.f32 [tilespmem:s9], [sflag:$0x1], $0x1, s15, s29, $0xb8;
	[tilespmem:$0x9D80] =	vst v63  }
0xe3: {  	_ =	swait.ge [sflag:s26], $0x80  }
0xe4: {  	p0 =	sne.s32 s24, $0x310;
	[sflag:s26] =	ssyncset.done $0x0  }
.Ltmp0:
0xe5: {  	[sflag:s26] =	ssyncadd.s32 $0xFFFFFF80;
	(pc) =	sbr.rel @p0 .LBB2_2-.Ltmp0, $4  }
0xe6: {  	[spmem:s7] =	stream.indirect.scatter.add.f32 [tilespmem:s22], [sflag:$0x1], $0x1, s15, s29, $0xb8;
	[tilespmem:$0x9D80] =	vst v63  }
0xe7: {  	_ =	swait.ge [sflag:s26], $0x80  }
0xe8: {  	[sflag:s26] =	ssyncset.done $0x0  }
0xe9: {  	s24 =	sadd.s32 $0x10, s24;
	[sflag:s26] =	ssyncadd.s32 $0xFFFFFF80  }
0xea: {  	[bflag:$0x0] =	sbarrier.arrive $0xFFFF  }
0xeb: {  	s24 =	rddreg [dreg:$0x11]  }
0xec: {  	s25 =	rddreg [dreg:$0x18]  }
0xed: {  	[hbm:s24], [sflag:s10] =	dma.local [spmem:s25], $0x320  }
0xee: {  	_ =	swait.ge [sflag:s26], $0x320  }
0xef: {  	[sflag:s26] =	ssyncset.done $0x0;
	s24 =	rddreg [dreg:$0x12]  }
0xf0: {  	s25 =	rddreg [dreg:$0x19];
	[sflag:s26] =	ssyncadd.s32 $0xFFFFFCE0  }
0xf1: {  	[hbm:s24], [sflag:s10] =	dma.local [spmem:s25], $0x320  }
0xf2: {  	_ =	swait.ge [sflag:s26], $0x320  }
0xf3: {  	[sflag:s26] =	ssyncset.done $0x0  }
0xf4: {  	s25 =	rddreg [dreg:$0x13];
	[sflag:s26] =	ssyncadd.s32 $0xFFFFFCE0  }
0xf5: {  	[hbm:s25], [sflag:s10] =	dma.local [spmem:s12], $0x320  }
0xf6: {  	_ =	swait.ge [sflag:s26], $0x320  }
0xf7: {  	s23 =	sadd.s32 $0x1, s23;
	s25 =	rddreg [dreg:$0x14]  }
0xf8: {  	p0 =	sne.s32 s23, s25  }
.Ltmp1:
0xf9: {  	_ = 	snop;
	(pc) =	sbr.rel @p0 .LBB2_1-.Ltmp1, $3  }
0xfa: {  	_ =	sdelay $0x1  }
0xfb: {  	[sflag:s26] =	ssyncset.done $0x0  }
0xfc: {  	[sflag:s26] =	ssyncadd.s32 $0xFFFFFCE0  }
0xfd: {  	_ =	sfence.sel $0x180000  }
0xfe: {  	[bflag:$0x0] =	sbarrier.arrive $0xFFFF  }
0xff: {  	_ =	strace $0x90000047  }
0x100: {  	s0 =	stileid.u32;
	[bflag:$0x2] =	sbarrier.arrive $0xFFFF  }
0x101: {  	p0 =	sne.s32 s0, $0x0;
	s0 =	rddreg [dreg:$0x8]  }
0x102: {  	s0 =	sadd.s32 @!p0 $0x100000, s0  }
0x103: {  	[sflag:s0] =	ssyncadd.tile.s32 @!p0 $0x1;
	_ =	shalt  }
.Lfunc_end2:
_tile_overlayer_lowered:
.L_overlay_start_2:
0x104: {  	(tag) =	ssettag $0x2  }
0x105: {  	s0 =	rddreg [dreg:$0x0];
	s2 =	stileid.u32  }
0x106: {  	s1 =	rddreg [dreg:$0x1];
	p0 =	sne.s32 s2, $0x0  }
0x107: {  	s3 =	rddreg [dreg:$0x2];
	[bflag:$0x3] =	sbarrier.arrive $0xFFFF;
	s2 =	simm.s32 @!p0 $0x1C01  }
0x108: {  	[timem:s3], [sflag:s2] =	dma.local @!p0 [hbm:s0], s1  }
0x109: {  	s0 =	simm.s32 @!p0 $0x1  }
0x10a: {  	_ =	swait.ge @!p0 [sflag:s0], s1  }
0x10b: {  	s1 =	ssub.s32 @!p0 $0x0, s1;
	[sflag:s0] =	ssyncset.done @!p0 $0x0  }
0x10c: {  	[sflag:s0] =	ssyncadd.s32 @!p0 s1  }
0x10d: {  	[bflag:$0x3] =	sbarrier.arrive $0xFFFF  }
0x10e: {  	_ =	shalt  }

// kernel: kernel.7.cloned.1.call-start
scs
__scs_entry_jumppad:
0x0: {  	(pc) =	sbr.rel $0x88, $3  }
0x1: {  	(tag) =	ssettag $0x0;
	lr =	simm.s32 $0x1  }
0x2: {  	[smem:$0x3F9F] =	sst lr;
	_ =	strace $0xD0000000  }
0x3: {  	_ = 	snop  }
0x4: {  	_ = 	snop  }
0x5: {  	_ = 	snop  }
0x6: {  	_ = 	snop  }
0x7: {  	_ = 	snop  }
__scs_overlays_trampoline_lowered:
0x8: {  	[smem:$0x3FAE] =	sst s0  }
0x9: {  	[smem:$0x3FAF] =	sst s1  }
0xa: {  	[smem:$0x3FB0] =	sst s2  }
0xb: {  	[smem:$0x3FB1] =	sst s3  }
0xc: {  	[smem:$0x3FB2] =	sst s4  }
0xd: {  	[smem:$0x3FB3] =	sst s5  }
0xe: {  	[smem:$0x3FB4] =	sst s6  }
0xf: {  	[smem:$0x3FB5] =	sst s7  }
0x10: {  	[smem:$0x3FB6] =	sst s8  }
0x11: {  	[smem:$0x3FB7] =	sst s9;
	s0 =	simm.s32 @!p0 $0x0  }
0x12: {  	s1 =	sld [smem:$0x3F9D];
	s0 =	simm.s32 @p0 $0x1  }
0x13: {  	[smem:$0x3FB8] =	sst s0;
	s0 =	simm.s32 @!p1 $0x0  }
0x14: {  	s2 =	sld [smem:$0x3F9C];
	s0 =	simm.s32 @p1 $0x1  }
0x15: {  	[smem:$0x3FB9] =	sst s0;
	s0 =	simm.s32 @!p2 $0x0  }
0x16: {  	s3 =	sld [smem:$0x3FDB];
	s0 =	simm.s32 @p2 $0x1  }
0x17: {  	s4 =	simm.s32 $0x1BF5;
	[smem:$0x3FBB] =	sst s0  }
0x18: {  	s0 =	sld [smem:$0x3F9E];
	_ =	swait.ge [sflag:s4], $0x0  }
0x19: {  	s7 =	sld [smem:$0x3F9F]  }
0x1a: {  	s8 =	sadd.s32 $0xFFFFE003, lr  }
0x1b: {  	s9 =	sadd.s32 $0xFFFFFEF7, lr;
	s5 =	simm.s32 $0xFFFFFFFF;
	p2 =	slt.u32 s8, $0xFFFFF086  }
0x1c: {  	p1 =	slt.u32 s9, $0xF7A;
	s5 =	simm.s32 @!p2 $0x0  }
0x1d: {  	s5 =	simm.s32 @p1 $0x1;
	p0 =	seq.s32 s7, s2  }
0x1e: {  	s7 =	smul.u32 @!p0 $0xF7A, s2;
	p2 =	seq.s32 @!p0 s5, $0x0  }
0x1f: {  	s9 =	smul.u32 $0xF7A, s1;
	s8 =	simm.s32 @!p0 $0x1BF5;
	p2 =	por !p2, p0  }
0x20: {  	[sflag:s8] =	ssyncset.s32 @!p0 $0xFFFFF086;
	s6 =	sadd.s32 @!p0 s3, s7;
	s7 =	simm.s32 @!p0 $0x108  }
0x21: {  	s3 =	sadd.s32 s3, s9;
	s6 =	sadd.s32 @!p0 $0x88, s6;
	s7 =	simm.s32 @p2 $0x1082  }
0x22: {  	[simem:s7], [sflag:s8] =	dma.local @!p0 [hbm:s6], $0xF7A  }
0x23: {  	s9 =	sor.u32 $0xD0000000, s2;
	s6 =	simm.s32 $0x108;
	_ =	swait.ge @!p0 [sflag:s8], $0x0  }
0x24: {  	s3 =	sadd.s32 $0x88, s3;
	s6 =	simm.s32 @!p1 $0x1082;
	[sflag:s4] =	ssyncset.s32 $0xFFFFF086  }
0x25: {  	[simem:s6], [sflag:s4] =	dma.local [hbm:s3], $0xF7A  }
0x26: {  	[smem:$0x3F9F] =	sst s1;
	(tag) =	ssettag s2;
	_ =	strace s9  }
0x27: {  	s1 =	sld [smem:$0x3FAF]  }
0x28: {  	s2 =	sld [smem:$0x3FB0]  }
0x29: {  	s4 =	sld [smem:$0x3FB2]  }
0x2a: {  	p0 =	seq.s32 s5, $0x0;
	s5 =	sld [smem:$0x3FB3]  }
0x2b: {  	s6 =	sld [smem:$0x3FB4]  }
0x2c: {  	s7 =	sld [smem:$0x3FB5]  }
0x2d: {  	s3 =	simm.s32 $0x108;
	s8 =	sld [smem:$0x3FB6]  }
0x2e: {  	s3 =	simm.s32 @!p0 $0x1082;
	s9 =	sld [smem:$0x3FB7]  }
0x2f: {  	lr =	sadd.s32 s0, s3;
	s0 =	sld [smem:$0x3FAE]  }
0x30: {  	s3 =	sld [smem:$0x3FB1]  }
0x31: {  	[smem:$0x3FBA] =	sst s10  }
0x32: {  	s10 =	sld [smem:$0x3FB8];
	_ =	sdelay $0x3  }
0x33: {  	p0 =	seq.s32 s10, $0x1;
	s10 =	sld [smem:$0x3FBA];
	_ =	sdelay $0x3  }
0x34: {  	[smem:$0x3FBA] =	sst s10  }
0x35: {  	s10 =	sld [smem:$0x3FB9];
	_ =	sdelay $0x3  }
0x36: {  	p1 =	seq.s32 s10, $0x1;
	s10 =	sld [smem:$0x3FBA];
	_ =	sdelay $0x3  }
0x37: {  	[smem:$0x3FBA] =	sst s10  }
0x38: {  	s10 =	sld [smem:$0x3FBB]  }
0x39: {  	_ = 	snop;
	(pc) =	sbr.ind lr, $3  }
0x3a: {  	_ = 	snop  }
0x3b: {  	_ = 	snop  }
0x3c: {  	p2 =	seq.s32 s10, $0x1;
	s10 =	sld [smem:$0x3FBA]  }
0x3d: {  	_ =	shalt  }
0x3e: {  	_ =	shalt  }
0x3f: {  	_ =	shalt  }
0x40: {  	_ =	shalt  }
0x41: {  	_ =	shalt  }
0x42: {  	_ =	shalt  }
0x43: {  	_ =	shalt  }
0x44: {  	_ =	shalt  }
0x45: {  	_ =	shalt  }
0x46: {  	_ =	shalt  }
0x47: {  	_ =	shalt  }
0x48: {  	_ =	shalt  }
0x49: {  	_ =	shalt  }
0x4a: {  	_ =	shalt  }
0x4b: {  	_ =	shalt  }
0x4c: {  	_ =	shalt  }
0x4d: {  	_ =	shalt  }
0x4e: {  	_ =	shalt  }
0x4f: {  	_ =	shalt  }
0x50: {  	_ =	shalt  }
0x51: {  	_ =	shalt  }
0x52: {  	_ =	shalt  }
0x53: {  	_ =	shalt  }
0x54: {  	_ =	shalt  }
0x55: {  	_ =	shalt  }
0x56: {  	_ =	shalt  }
0x57: {  	_ =	shalt  }
0x58: {  	_ =	shalt  }
0x59: {  	_ =	shalt  }
0x5a: {  	_ =	shalt  }
0x5b: {  	_ =	shalt  }
0x5c: {  	_ =	shalt  }
0x5d: {  	_ =	shalt  }
0x5e: {  	_ =	shalt  }
0x5f: {  	_ =	shalt  }
0x60: {  	_ =	shalt  }
0x61: {  	_ =	shalt  }
0x62: {  	_ =	shalt  }
0x63: {  	_ =	shalt  }
0x64: {  	_ =	shalt  }
0x65: {  	_ =	shalt  }
0x66: {  	_ =	shalt  }
0x67: {  	_ =	shalt  }
0x68: {  	_ =	shalt  }
0x69: {  	_ =	shalt  }
0x6a: {  	_ =	shalt  }
0x6b: {  	_ =	shalt  }
0x6c: {  	_ =	shalt  }
0x6d: {  	_ =	shalt  }
0x6e: {  	_ =	shalt  }
0x6f: {  	_ =	shalt  }
0x70: {  	_ =	shalt  }
0x71: {  	_ =	shalt  }
0x72: {  	_ =	shalt  }
0x73: {  	_ =	shalt  }
0x74: {  	_ =	shalt  }
0x75: {  	_ =	shalt  }
0x76: {  	_ =	shalt  }
0x77: {  	_ =	shalt  }
0x78: {  	_ =	shalt  }
0x79: {  	_ =	shalt  }
0x7a: {  	_ =	shalt  }
0x7b: {  	_ =	shalt  }
0x7c: {  	_ =	shalt  }
0x7d: {  	_ =	shalt  }
0x7e: {  	_ =	shalt  }
0x7f: {  	_ =	shalt  }
0x80: {  	_ =	shalt  }
0x81: {  	_ =	shalt  }
0x82: {  	_ =	shalt  }
0x83: {  	_ =	shalt  }
0x84: {  	_ =	shalt  }
0x85: {  	_ =	shalt  }
0x86: {  	_ =	shalt  }
0x87: {  	_ =	shalt  }
.Lfunc_end0:
.L_simem_size_0:
called_computation.1_lowered:
.L_overlay_start_0:
0x88: {  	s2 =	sld [smem:$0x3FD9]  }
0x89: {  	s3 =	sld [smem:$0x3FFE];
	_ =	sdelay $0x1  }
0x8a: {  	s1 =	srdreg.scid  }
0x8b: {  	s0 =	sand.u32 $0x1, s1  }
0x8c: {  	s17 =	sshll.u32 s0, $0xA;
	s2 =	sadd.s32 s3, s2  }
0x8d: {  	s2 =	sadd.s32 s2, s17  }
0x8e: {  	[smem:$0x3FC6] =	sst s2  }
0x8f: {  	_ = 	snop  }
0x90: {  	s2 =	sld [smem:$0x3FD0];
	(tm) =	ssettm $0x1  }
0x91: {  	s18 =	sld [smem:$0x3FFB];
	_ =	sdelay $0x3  }
0x92: {  	_ =	strace s18  }
0x93: {  	s3 =	sld [smem:$0x3FFC];
	_ =	sdelay $0x3  }
0x94: {  	_ =	strace s3  }
0x95: {  	s3 =	sld [smem:$0x3FFD];
	_ =	sdelay $0x3  }
0x96: {  	_ =	strace s3  }
0x97: {  	_ =	strace $0x8FFFFFFF  }
0x98: {  	s19 =	sld [smem:$0x3FDB];
	_ =	sdelay $0x1  }
0x99: {  	s4 =	simm.s32 $_scs_section_size  }
0x9a: {  	s5 =	simm.s32 $_size__tile_overlayer_lowered;
	s6 =	simm.s32 $_tile_overlayer_lowered  }
0x9b: {  	s22 =	simm.s32 $0x1BFF;
	s21 =	sshll.u32 s6, $0x1;
	s3 =	sadd.s32 s4, s19  }
0x9c: {  	s7 =	simm.s32 $0x0;
	s20 =	sshll.u32 s5, $0x1;
	s5 =	sadd.s32 s21, s3  }
0x9d: {  	[timem:s7], [sflag:s22] =	dma.local [hbm:s5], s20  }
0x9e: {  	_ =	swait.ge [sflag:s22], s20  }
0x9f: {  	s4 =	ssub.s32 $0x0, s20;
	[sflag:s22] =	ssyncset.done $0x0  }
0xa0: {  	[sflag:s22] =	ssyncadd.s32 s4;
	_ =	sdelay $0x1  }
0xa1: {  	s23 =	simm.s32 $0x1B8B  }
0xa2: {  	_ =	swait.ge [sflag:s23], $0x1  }
0xa3: {  	[sflag:s23] =	ssyncset.done $0x0  }
0xa4: {  	s25 =	simm.s32 $0x1B8E;
	s24 =	sld [smem:$0x3FFE];
	[sflag:s23] =	ssyncadd.s32 $0xFFFFFFFF  }
0xa5: {  	s26 =	simm.s32 $execute0_lowered;
	[smem:$0x3FD2] =	sst s25  }
0xa6: {  	s5 =	sshll.u32 s26, $0x1;
	_ =	strace $0x80000049;
	[dreg:$0x1] =	wrdreg $0xFFFFFFFF  }
0xa7: {  	s28 =	simm.s32 $_size_execute0_lowered;
	s3 =	sadd.s32 s3, s5;
	[dreg:$0x0] =	wrdreg $0x0  }
0xa8: {  	s5 =	sshll.u32 s28, $0x1;
	[dreg:$0x2] =	wrdreg s3  }
0xa9: {  	[dreg:$0x3] =	wrdreg s5  }
0xaa: {  	[dreg:$0x4] =	wrdreg $0xC0  }
0xab: {  	_ =	task [dreg:s7], $0x5FFFF  }
0xac: {  	[dreg:$0x1] =	wrdreg $0xFFFFFFFF  }
0xad: {  	[dreg:$0x0] =	wrdreg $0x60  }
0xae: {  	[dreg:$0x2] =	wrdreg s24  }
0xaf: {  	[dreg:$0x3] =	wrdreg s2  }
0xb0: {  	[dreg:$0x4] =	wrdreg $0x9  }
0xb1: {  	_ =	task.clear_ibuf [dreg:s7], $0x5FFFF;
	_ =	strace $0x90000049  }
0xb2: {  	s29 =	simm.s32 $0x9;
	_ =	strace $0x8000004B  }
0xb3: {  	_ =	swait.ge [sflag:s29], $0x1  }
0xb4: {  	[sflag:s29] =	ssyncadd.s32 $0xFFFFFFFF  }
0xb5: {  	_ =	strace $0x9000004B  }
0xb6: {  	_ =	sfence  }
0xb7: {  	s30 =	sld [smem:$0x0];
	_ =	sdelay $0x2  }
0xb8: {  	s31 =	sshll.u32 s1, $0xD;
	s1 =	sshrl.u32 s1, $0x2  }
0xb9: {  	s3 =	sand.u32 $0x4000, s31;
	s1 =	sadd.s32 s1, s30  }
0xba: {  	s0 =	sor.u32 s3, s0;
	s1 =	sshll.u32 s1, $0x11  }
0xbb: {  	s0 =	sor.u32 s1, s0  }
0xbc: {  	s0 =	sadd.s32 $0x8F2B, s0  }
0xbd: {  	[sflag:s0] =	ssyncadd.remote.s32 $0x1  }
0xbe: {  	_ =	sfence.sel $0xFFFF  }
0xbf: {  	[dreg:$0x0] =	wrdreg $0xFFFFFFFF;
	(pc) =	sbr.abs _section_cstart, $3  }
0xc0: {  	[dreg:$0x1] =	wrdreg $0xFFFFFFFF  }
0xc1: {  	_ =	task.clear_ibuf [dreg:s7], $0x2FFFF;
	_ =	strace $0x9FFFFFFF  }
0xc2: {  	(tm) =	ssettm $0x7FFFFFFF  }
0xc3: {  	_ =	shalt  }
tec
execute0_lowered:
.L_overlay_start_1:
0x0: {  	(tag) =	ssettag $0x1  }
0x1: {  	s4 =	rddreg [dreg:$0x0]  }
0x2: {  	s0 =	srdreg.scid;
	s11 =	rddreg [dreg:$0x1]  }
0x3: {  	s2 =	simm.s32 $0x0;
	s14 =	simm.s32 $0xC80;
	s15 =	simm.s32 $0x1900  }
0x4: {  	s16 =	simm.s32 $0x2580;
	s17 =	simm.s32 $0x3200;
	s18 =	simm.s32 $0x3E80  }
0x5: {  	s19 =	simm.s32 $0x4B00;
	s20 =	simm.s32 $0x5780;
	s3 =	sand.u32 $0x1, s0  }
0x6: {  	s21 =	simm.s32 $0x6400;
	s0 =	stileid.u32;
	s1 =	sshll.u32 s3, $0x4  }
0x7: {  	s22 =	simm.s32 $0x0;
	s3 =	ssub.s32 $0x2, s3;
	s5 =	sor.u32 s0, s1  }
0x8: {  	[smem:$0x7FF] =	sst s2;
	s6 =	sshrl.u32 s3, $0x1;
	s5 =	smul.u32 $0xC80, s5  }
0x9: {  	s31 =	sadd.s32 $0x16400, s4;
	s1 =	rddreg [dreg:$0x2];
	s12 =	ssub.s32 s3, s6  }
0xa: {  	_ =	strace $0x8000004A;
	s12 =	smax.u32 s12, $0x1;
	s9 =	sshrl.u32 s5, $0x3  }
0xb: {  	s10 =	sadd.s32 $0x3200, s9;
	s3 =	sadd.s32 s31, s9;
	s13 =	sadd.s32 $0x6400, s9  }
0xc: {  	s9 =	sadd.s32 s11, s9;
	s4 =	sadd.s32 s31, s10;
	s5 =	sadd.s32 s31, s13  }
0xd: {  	s6 =	sadd.s32 $0x9600, s3;
	s7 =	sadd.s32 $0xC800, s3;
	s8 =	sadd.s32 $0xFA00, s3  }
0xe: {  	s10 =	sadd.s32 s11, s10;
	s11 =	sadd.s32 s11, s13;
	s13 =	simm.s32 $0x1  }
.LBB2_1:
0xf: {  	[tilespmem:s2], [sflag:$0x1] =	stream.linear.gather [hbm4b:s3+s2], $0xC80, $0x38;
	[tilespmem:$0x7080] =	vst v63  }
0x10: {  	_ =	swait.ge [sflag:s13], $0xC80  }
0x11: {  	[sflag:s13] =	ssyncset.done $0x0  }
0x12: {  	[sflag:s13] =	ssyncadd.s32 $0xFFFFF380  }
0x13: {  	[tilespmem:s14], [sflag:$0x1] =	stream.linear.gather [hbm4b:s4+s2], $0xC80, $0x38;
	[tilespmem:$0x7080] =	vst v63  }
0x14: {  	_ =	swait.ge [sflag:s13], $0xC80  }
0x15: {  	[sflag:s13] =	ssyncset.done $0x0  }
0x16: {  	[sflag:s13] =	ssyncadd.s32 $0xFFFFF380  }
0x17: {  	[tilespmem:s15], [sflag:$0x1] =	stream.linear.gather [hbm4b:s5+s2], $0xC80, $0x38;
	[tilespmem:$0x7080] =	vst v63  }
0x18: {  	_ =	swait.ge [sflag:s13], $0xC80  }
0x19: {  	[sflag:s13] =	ssyncset.done $0x0  }
0x1a: {  	[sflag:s13] =	ssyncadd.s32 $0xFFFFF380  }
0x1b: {  	[tilespmem:s16], [sflag:$0x1] =	stream.linear.gather [hbm4b:s6+s2], $0xC80, $0x38;
	[tilespmem:$0x7080] =	vst v63  }
0x1c: {  	_ =	swait.ge [sflag:s13], $0xC80  }
0x1d: {  	[sflag:s13] =	ssyncset.done $0x0  }
0x1e: {  	[sflag:s13] =	ssyncadd.s32 $0xFFFFF380  }
0x1f: {  	[tilespmem:s17], [sflag:$0x1] =	stream.linear.gather [hbm4b:s7+s2], $0xC80, $0x38;
	[tilespmem:$0x7080] =	vst v63  }
0x20: {  	_ =	swait.ge [sflag:s13], $0xC80  }
0x21: {  	[sflag:s13] =	ssyncset.done $0x0  }
0x22: {  	[sflag:s13] =	ssyncadd.s32 $0xFFFFF380  }
0x23: {  	[tilespmem:s18], [sflag:$0x1] =	stream.linear.gather [hbm4b:s8+s2], $0xC80, $0x38;
	[tilespmem:$0x7080] =	vst v63  }
0x24: {  	_ =	swait.ge [sflag:s13], $0xC80  }
0x25: {  	[sflag:s13] =	ssyncset.done $0x0  }
0x26: {  	s24 =	simm.s32 $0x0;
	[sflag:s13] =	ssyncadd.s32 $0xFFFFF380  }
0x27: {  	v0 =	vld [tilespmem:s24+$0x0]  }
0x28: {  	v1 =	vld [tilespmem:s24+$0x2580]  }
0x29: {  	v2 =	vld [tilespmem:s24+$0xC80]  }
0x2a: {  	v3 =	vld [tilespmem:s24+$0x3200]  }
0x2b: {  	v4 =	vld [tilespmem:s24+$0x1900]  }
0x2c: {  	v5 =	vld [tilespmem:s24+$0x3E80];
	_ =	sdelay $0x2  }
0x2d: {  	v0 =	vadd.f32 v1, v0;
	v3 =	vadd.f32 v3, v2;
	_ =	sdelay $0x1  }
0x2e: {  	s23 =	simm.s32 $0x10;
	v21 =	vadd.f32 v5, v4;
	v1 =	vmul.f32 v0, v0;
	v2 =	vmul.f32 v3, v3  }
0x2f: {  	v6 =	vld [tilespmem:s23+$0xC80]  }
0x30: {  	v4 =	vld [tilespmem:s23+$0x0];
	v1 =	vadd.f32 v2, v1;
	v2 =	vmul.f32 v21, v21  }
0x31: {  	v5 =	vld [tilespmem:s23+$0x2580]  }
0x32: {  	v7 =	vld [tilespmem:s23+$0x3200];
	v11 =	vadd.f32 v2, v1  }
0x33: {  	v8 =	vld [tilespmem:s23+$0x1900]  }
0x34: {  	v9 =	vld [tilespmem:s23+$0x3E80];
	v1 =	vmax.f32 v11, $1.000000000e-30  }
0x35: {  	v10 =	vshra.s32 v1, $0x1;
	v12 =	vmul.f32 $5.000000000e-01, v1  }
0x36: {  	v2 =	vadd.f32 v5, v4;
	v5 =	vsub.s32 $0x5F3759DF, v10  }
0x37: {  	v1 =	vadd.f32 v7, v6;
	v6 =	vmul.f32 v5, v12  }
0x38: {  	v7 =	vmul.f32 v2, v2  }
0x39: {  	s25 =	simm.s32 $0x20;
	v4 =	vadd.f32 v9, v8;
	v8 =	vmul.f32 v1, v1;
	v6 =	vmul.f32 v5, v6  }
0x3a: {  	v13 =	vld [tilespmem:s25+$0xC80]  }
0x3b: {  	v9 =	vld [tilespmem:s25+$0x0];
	v7 =	vadd.f32 v8, v7;
	v8 =	vmul.f32 v4, v4;
	v6 =	vsub.f32 $1.500000000e+00, v6  }
0x3c: {  	v10 =	vld [tilespmem:s25+$0x2580]  }
0x3d: {  	v14 =	vld [tilespmem:s25+$0x3200];
	v17 =	vadd.f32 v8, v7;
	v8 =	vmul.f32 v5, v6  }
0x3e: {  	v15 =	vld [tilespmem:s25+$0x3E80]  }
0x3f: {  	v7 =	vld [tilespmem:s25+$0x1900];
	v5 =	vmax.f32 v17, $1.000000000e-30;
	v6 =	vmul.f32 v8, v12  }
0x40: {  	v16 =	vshra.s32 v5, $0x1;
	v18 =	vmul.f32 $5.000000000e-01, v5  }
0x41: {  	v5 =	vadd.f32 v10, v9;
	v9 =	vsub.s32 $0x5F3759DF, v16;
	v10 =	vmul.f32 v6, v8  }
0x42: {  	v6 =	vadd.f32 v14, v13;
	v13 =	vmul.f32 v9, v18  }
0x43: {  	s26 =	simm.s32 $0x30;
	v14 =	vmul.f32 v5, v5;
	v10 =	vsub.f32 $1.500000000e+00, v10  }
0x44: {  	v19 =	vld [tilespmem:s26+$0x2580];
	v7 =	vadd.f32 v15, v7;
	v15 =	vmul.f32 v6, v6;
	v13 =	vmul.f32 v9, v13  }
0x45: {  	v16 =	vld [tilespmem:s26+$0x0];
	v10 =	vmul.f32 v10, v8  }
0x46: {  	v22 =	vld [tilespmem:s26+$0x3200];
	v8 =	vadd.f32 v15, v14;
	v14 =	vmul.f32 v7, v7;
	v20 =	vsub.f32 $1.500000000e+00, v13  }
0x47: {  	v15 =	vld [tilespmem:s26+$0xC80];
	v12 =	vmul.f32 v10, v12  }
0x48: {  	v13 =	vadd.f32 v14, v8;
	v14 =	vmul.f32 v9, v20  }
0x49: {  	v20 =	vld [tilespmem:s26+$0x1900];
	v8 =	vmul.f32 v12, v10  }
0x4a: {  	v9 =	vadd.f32 v19, v16;
	v12 =	vld [tilespmem:s26+$0x3E80];
	v16 =	vmax.f32 v13, $1.000000000e-30;
	v19 =	vmul.f32 v14, v18  }
0x4b: {  	v23 =	vshra.s32 v16, $0x1;
	v26 =	vmul.f32 $5.000000000e-01, v16;
	v16 =	vsub.f32 $1.500000000e+00, v8  }
0x4c: {  	v8 =	vadd.f32 v22, v15;
	v22 =	vsub.s32 $0x5F3759DF, v23;
	v15 =	vmul.f32 v19, v14  }
0x4d: {  	v19 =	vmul.f32 v22, v26  }
0x4e: {  	s28 =	simm.s32 $0x40;
	v23 =	vmul.f32 v9, v9;
	v16 =	vmul.f32 v16, v10;
	v15 =	vsub.f32 $1.500000000e+00, v15  }
0x4f: {  	v24 =	vmul.f32 v8, v8;
	v10 =	vadd.f32 v12, v20;
	v12 =	vld [tilespmem:s28+$0x0];
	v19 =	vmul.f32 v22, v19  }
0x50: {  	v11 =	vmul.f32 v16, v11;
	v16 =	vld [tilespmem:s28+$0x2580];
	v14 =	vmul.f32 v15, v14  }
0x51: {  	v20 =	vadd.f32 v24, v23;
	v23 =	vld [tilespmem:s28+$0xC80];
	v15 =	vmul.f32 v10, v10  }
0x52: {  	v24 =	vld [tilespmem:s28+$0x3200];
	v19 =	vsub.f32 $1.500000000e+00, v19;
	v11 =	vmax.f32 v11, $9.999999970e-07;
	v18 =	vmul.f32 v14, v18  }
0x53: {  	(erf) = vrcp.f32 v11  }
0x54: {  	v27 =	vld [tilespmem:s28+$0x3E80];
	v15 =	vadd.f32 v15, v20;
	v25 =	vmul.f32 v22, v19;
	v18 =	vmul.f32 v18, v14  }
0x55: {  	v22 =	vld [tilespmem:s28+$0x1900];
	v11 =	vadd.f32 v16, v12  }
0x56: {  	v12 =	vmax.f32 v15, $1.000000000e-30;
	v20 =	vmul.f32 v25, v26;
	v18 =	vsub.f32 $1.500000000e+00, v18  }
0x57: {  	v19 =	vshra.s32 v12, $0x1;
	v16 =	vmul.f32 $5.000000000e-01, v12;
	v12 =	vadd.f32 v24, v23  }
0x58: {  	v19 =	vsub.s32 $0x5F3759DF, v19;
	v23 =	vmul.f32 v20, v25;
	v18 =	vmul.f32 v18, v14  }
0x59: {  	s29 =	simm.s32 $0x50;
	v28 =	vmul.f32 v11, v11;
	v24 =	vmul.f32 v19, v16  }
0x5a: {  	v20 =	vld [tilespmem:s29+$0x1900];
	v29 =	vmul.f32 v12, v12;
	v14 =	vadd.f32 v27, v22;
	v23 =	vsub.f32 $1.500000000e+00, v23  }
0x5b: {  	v22 =	vld [tilespmem:s29+$0x0];
	v27 =	vmul.f32 v18, v17;
	v30 =	vmul.f32 v19, v24  }
0x5c: {  	v24 =	vld [tilespmem:s29+$0x2580];
	v28 =	vadd.f32 v29, v28;
	v29 =	vmul.f32 v14, v14;
	v17 =	vmul.f32 v23, v25;
	v18 =	vpop (erf)  }
0x5d: {  	v23 =	vld [tilespmem:s29+$0xC80];
	v31 =	vmax.f32 v27, $9.999999970e-07;
	v27 =	vsub.f32 $1.500000000e+00, v30;
	v21 =	vmul.f32 v18, v21  }
0x5e: {  	s30 =	simm.s32 $0x180;
	v25 =	vld [tilespmem:s29+$0x3200];
	v26 =	vmul.f32 v17, v26;
	(erf) = vrcp.f32 v31  }
.LBB2_2:
0x5f: {  	p0 =	sne.s32 s30, $0x31C0;
	v30 =	vld [tilespmem:s29+$0x3E80];
	v28 =	vadd.f32 v29, v28;
	v27 =	vmul.f32 v19, v27;
	v19 =	vmul.f32 v18, v0;
	[tilespmem:s24+$0x6400] =	vst v21  }
0x60: {  	v29 =	vmul.f32 v18, v3;
	v0 =	vmovc v2;
	v2 =	vmovc v5;
	v5 =	vmov v9;
	v21 =	vmul.f32 v26, v17  }
0x61: {  	v9 =	vmovc v11;
	v18 =	vmax.f32 v28, $1.000000000e-30;
	v26 =	vmul.f32 v27, v16;
	[tilespmem:s24+$0x4B00] =	vst v19;
	v11 =	vadd.f32 v24, v22  }
0x62: {  	v3 =	vmovc v1;
	v1 =	vmovc v6;
	v19 =	vshra.s32 v18, $0x1;
	v31 =	vmul.f32 $5.000000000e-01, v18;
	v18 =	vsub.f32 $1.500000000e+00, v21;
	[tilespmem:s24+$0x5780] =	vst v29;
	s24 =	smov.u32 s23;
	s23 =	smov.u32 s25;
	s25 =	smov.u32 s26  }
0x63: {  	v6 =	vmovc v8;
	v8 =	vmovc v12;
	s26 =	smov.u32 s28;
	s28 =	smov.u32 s29;
	v19 =	vsub.s32 $0x5F3759DF, v19;
	v21 =	vmul.f32 v26, v27;
	v12 =	vadd.f32 v25, v23  }
0x64: {  	s29 =	sshra.s32 s30, $0x2;
	v30 =	vadd.f32 v30, v20;
	v23 =	vmul.f32 v19, v31;
	v17 =	vmul.f32 v18, v17  }
.Ltmp0:
0x65: {  	v33 =	vmul.f32 v11, v11;
	v20 =	vld [tilespmem:s29+$0x1900];
	v25 =	vmul.f32 v12, v12;
	v21 =	vsub.f32 $1.500000000e+00, v21;
	(pc) =	sbr.rel @p0 .LBB2_2-.Ltmp0, $4  }
0x66: {  	v22 =	vld [tilespmem:s29+$0x0];
	v26 =	vmul.f32 v19, v23;
	v32 =	vmul.f32 v17, v13;
	v13 =	vmovc v15;
	v15 =	vmov v28  }
0x67: {  	v29 =	vmul.f32 v30, v30;
	v24 =	vld [tilespmem:s29+$0x2580];
	v28 =	vadd.f32 v25, v33;
	v17 =	vmul.f32 v21, v27;
	v18 =	vpop (erf)  }
0x68: {  	v23 =	vld [tilespmem:s29+$0xC80];
	v27 =	vsub.f32 $1.500000000e+00, v26;
	v32 =	vmax.f32 v32, $9.999999970e-07;
	v21 =	vmul.f32 v18, v4;
	v4 =	vmovc v7;
	v7 =	vmovc v10  }
0x69: {  	s30 =	sadd.s32 $0x40, s30;
	v10 =	vmovc v14;
	v14 =	vmovc v30;
	v25 =	vld [tilespmem:s29+$0x3200];
	v26 =	vmul.f32 v17, v16;
	(erf) = vrcp.f32 v32;
	v16 =	vmov v31  }
0x6a: {  	_ = 	snop  }
0x6b: {  	v30 =	vld [tilespmem:s29+$0x3E80];
	_ =	sdelay $0x2  }
0x6c: {  	v22 =	vadd.f32 v24, v22;
	v23 =	vadd.f32 v25, v23;
	_ =	sdelay $0x1  }
0x6d: {  	v24 =	vmul.f32 v22, v22;
	v20 =	vadd.f32 v30, v20;
	v25 =	vmul.f32 v23, v23  }
0x6e: {  	v28 =	vadd.f32 v29, v28  }
0x6f: {  	v56 =	vmul.f32 v20, v20;
	v24 =	vadd.f32 v25, v24  }
0x70: {  	v29 =	vmax.f32 v28, $1.000000000e-30  }
0x71: {  	v57 =	vshra.s32 v29, $0x1;
	v29 =	vmul.f32 $5.000000000e-01, v29;
	v24 =	vadd.f32 v56, v24  }
0x72: {  	v58 =	vsub.s32 $0x5F3759DF, v57  }
0x73: {  	v30 =	vmul.f32 v58, v29;
	v31 =	vmax.f32 v24, $1.000000000e-30  }
0x74: {  	v32 =	vshra.s32 v31, $0x1;
	v31 =	vmul.f32 $5.000000000e-01, v31  }
0x75: {  	v30 =	vmul.f32 v58, v30;
	v32 =	vsub.s32 $0x5F3759DF, v32  }
0x76: {  	v19 =	vmul.f32 v19, v27;
	v59 =	vmul.f32 v32, v31  }
0x77: {  	v30 =	vsub.f32 $1.500000000e+00, v30  }
0x78: {  	v33 =	vmul.f32 v19, v16;
	v27 =	vmul.f32 v32, v59  }
0x79: {  	v25 =	vmul.f32 v58, v30  }
0x7a: {  	v60 =	vmul.f32 v33, v19;
	v27 =	vsub.f32 $1.500000000e+00, v27  }
0x7b: {  	v61 =	vmul.f32 v25, v29  }
0x7c: {  	v30 =	vsub.f32 $1.500000000e+00, v60;
	v27 =	vmul.f32 v32, v27  }
0x7d: {  	v26 =	vmul.f32 v26, v17;
	v62 =	vmul.f32 v61, v25  }
0x7e: {  	v19 =	vmul.f32 v30, v19;
	v63 =	vmul.f32 v27, v31  }
0x7f: {  	v32 =	vsub.f32 $1.500000000e+00, v62  }
0x80: {  	v26 =	vsub.f32 $1.500000000e+00, v26;
	v35 =	vmul.f32 v19, v16;
	v30 =	vmul.f32 v63, v27  }
0x81: {  	v25 =	vmul.f32 v32, v25  }
0x82: {  	v36 =	vmul.f32 v26, v17;
	v16 =	vmul.f32 v35, v19;
	v37 =	vsub.f32 $1.500000000e+00, v30  }
0x83: {  	v29 =	vmul.f32 v25, v29  }
0x84: {  	v13 =	vmul.f32 v36, v13;
	v16 =	vsub.f32 $1.500000000e+00, v16;
	v38 =	vmul.f32 v37, v27  }
0x85: {  	v39 =	vmul.f32 v29, v25  }
0x86: {  	v13 =	vmax.f32 v13, $9.999999970e-07;
	v16 =	vmul.f32 v16, v19;
	v40 =	vmul.f32 v38, v31  }
0x87: {  	(erf) = vrcp.f32 v13;
	v41 =	vsub.f32 $1.500000000e+00, v39  }
0x88: {  	v15 =	vmul.f32 v16, v15;
	v42 =	vmul.f32 v40, v38  }
0x89: {  	v13 =	vmul.f32 v41, v25  }
0x8a: {  	v15 =	vmax.f32 v15, $9.999999970e-07;
	v16 =	vsub.f32 $1.500000000e+00, v42  }
0x8b: {  	(erf) = vrcp.f32 v15;
	v13 =	vmul.f32 v13, v28  }
0x8c: {  	v43 =	vmul.f32 v16, v38  }
0x8d: {  	v0 =	vmul.f32 v18, v0;
	v3 =	vmul.f32 v18, v3;
	v13 =	vmax.f32 v13, $9.999999970e-07  }
0x8e: {  	[tilespmem:s24+$0x6400] =	vst v21;
	v44 =	vpop (erf);
	(erf) = vrcp.f32 v13;
	v45 =	vmul.f32 v43, v24  }
0x8f: {  	[tilespmem:s24+$0x4B00] =	vst v0;
	v46 =	vmul.f32 v44, v4  }
0x90: {  	[tilespmem:s24+$0x5780] =	vst v3;
	v2 =	vmul.f32 v44, v2;
	v47 =	vmax.f32 v45, $9.999999970e-07  }
0x91: {  	v48 =	vmul.f32 v44, v1;
	[tilespmem:s23+$0x6400] =	vst v46;
	v49 =	vpop (erf);
	(erf) = vrcp.f32 v47  }
0x92: {  	[tilespmem:s23+$0x4B00] =	vst v2;
	v50 =	vmul.f32 v49, v7  }
0x93: {  	[tilespmem:s23+$0x5780] =	vst v48;
	v51 =	vmul.f32 v49, v5  }
0x94: {  	v1 =	vmul.f32 v49, v6;
	[tilespmem:s25+$0x6400] =	vst v50;
	v52 =	vpop (erf)  }
0x95: {  	[tilespmem:s25+$0x4B00] =	vst v51;
	v53 =	vmul.f32 v52, v10  }
0x96: {  	[tilespmem:s25+$0x5780] =	vst v1;
	v54 =	vmul.f32 v52, v9  }
0x97: {  	v56 =	vmul.f32 v52, v8;
	[tilespmem:s26+$0x6400] =	vst v53;
	v55 =	vpop (erf)  }
0x98: {  	[tilespmem:s26+$0x4B00] =	vst v54;
	v57 =	vmul.f32 v55, v14  }
0x99: {  	[tilespmem:s26+$0x5780] =	vst v56;
	v58 =	vmul.f32 v55, v11  }
0x9a: {  	v59 =	vmul.f32 v55, v12;
	[tilespmem:s28+$0x6400] =	vst v57;
	v60 =	vpop (erf)  }
0x9b: {  	[tilespmem:s28+$0x4B00] =	vst v58;
	v61 =	vmul.f32 v60, v20  }
0x9c: {  	[tilespmem:s28+$0x5780] =	vst v59;
	v62 =	vmul.f32 v60, v22  }
0x9d: {  	v63 =	vmul.f32 v60, v23;
	[tilespmem:s29+$0x6400] =	vst v61  }
0x9e: {  	[tilespmem:s29+$0x4B00] =	vst v62  }
0x9f: {  	[tilespmem:s29+$0x5780] =	vst v63  }
0xa0: {  	[hbm4b:s9+s2] =	stream.linear.scatter [tilespmem:s19], [sflag:$0x1], $0xC80, $0x38;
	[tilespmem:$0x7080] =	vst v63  }
0xa1: {  	_ =	swait.ge [sflag:s13], $0xC80  }
0xa2: {  	[sflag:s13] =	ssyncset.done $0x0  }
0xa3: {  	[sflag:s13] =	ssyncadd.s32 $0xFFFFF380  }
0xa4: {  	[hbm4b:s10+s2] =	stream.linear.scatter [tilespmem:s20], [sflag:$0x1], $0xC80, $0x38;
	[tilespmem:$0x7080] =	vst v63  }
0xa5: {  	s22 =	sadd.s32 $0x1, s22;
	_ =	swait.ge [sflag:s13], $0xC80  }
0xa6: {  	p0 =	sne.s32 s22, s12;
	[sflag:s13] =	ssyncset.done $0x0  }
.Ltmp1:
0xa7: {  	[sflag:s13] =	ssyncadd.s32 $0xFFFFF380;
	(pc) =	sbr.rel @p0 .LBB2_1-.Ltmp1, $4  }
0xa8: {  	[hbm4b:s11+s2] =	stream.linear.scatter [tilespmem:s21], [sflag:$0x1], $0xC80, $0x38;
	[tilespmem:$0x7080] =	vst v63  }
0xa9: {  	_ =	swait.ge [sflag:s13], $0xC80  }
0xaa: {  	[sflag:s13] =	ssyncset.done $0x0  }
0xab: {  	[sflag:s13] =	ssyncadd.s32 $0xFFFFF380  }
0xac: {  	_ =	sfence.sel $0x180000  }
0xad: {  	[bflag:$0x0] =	sbarrier.arrive $0xFFFF  }
0xae: {  	p0 =	sne.s32 s0, $0x0;
	_ =	strace $0x9000004A  }
0xaf: {  	s0 =	sadd.s32 @!p0 $0x100000, s1;
	[bflag:$0x2] =	sbarrier.arrive $0xFFFF  }
0xb0: {  	[sflag:s0] =	ssyncadd.tile.s32 @!p0 $0x1;
	_ =	shalt  }
.Lfunc_end2:
_tile_overlayer_lowered:
.L_overlay_start_2:
0xb1: {  	(tag) =	ssettag $0x2  }
0xb2: {  	s0 =	rddreg [dreg:$0x0];
	s2 =	stileid.u32  }
0xb3: {  	s1 =	rddreg [dreg:$0x1];
	p0 =	sne.s32 s2, $0x0  }
0xb4: {  	s3 =	rddreg [dreg:$0x2];
	[bflag:$0x3] =	sbarrier.arrive $0xFFFF;
	s2 =	simm.s32 @!p0 $0x1C01  }
0xb5: {  	[timem:s3], [sflag:s2] =	dma.local @!p0 [hbm:s0], s1  }
0xb6: {  	s0 =	simm.s32 @!p0 $0x1  }
0xb7: {  	_ =	swait.ge @!p0 [sflag:s0], s1  }
0xb8: {  	s1 =	ssub.s32 @!p0 $0x0, s1;
	[sflag:s0] =	ssyncset.done @!p0 $0x0  }
0xb9: {  	[sflag:s0] =	ssyncadd.s32 @!p0 s1  }
0xba: {  	[bflag:$0x3] =	sbarrier.arrive $0xFFFF  }
0xbb: {  	_ =	shalt  }

</sc_bundles>
